<compile_context>
chip_gen: v7x
topology: tpu7x:2x2x1
jax: 0.10.2.dev20260603
libtpu: 0.0.44.dev20260713+nightly
codegen_flags: <defaults>
</compile_context>

<pallas_src>
import functools

import jax
import jax.numpy as jnp
from jax import lax
from jax.experimental import pallas as pl
from jax.experimental.pallas import tpu as pltpu
from jax.experimental.pallas import tpu_sc as plsc

V = 1000
N = 1024 * 50
LANES = 16


VP = 1024


def _prep_body(table_ref, logz_ref, padded_ref):
    x = table_ref[...]
    m = jnp.max(x, axis=1, keepdims=True)
    s = jnp.sum(jnp.exp(x - m), axis=1, keepdims=True)
    logz_ref[...] = m + jnp.log(s)
    padded_ref[...] = jnp.concatenate(
        [x, jnp.zeros((V, VP - V), jnp.float32)], axis=1)


def _prep(table):
    return pl.pallas_call(
        _prep_body,
        out_shape=(jax.ShapeDtypeStruct((V, 1), jnp.float32),
                   jax.ShapeDtypeStruct((V, VP), jnp.float32)),
    )(table)


NBUF = 3


def _make_sc_gather(nc, ns, chunk):
    nw = nc * ns
    per_w = N // nw
    nchunks = per_w // chunk
    assert chunk % LANES == 0
    main = (nchunks // NBUF) * NBUF
    mesh = plsc.VectorSubcoreMesh(core_axis_name="c", subcore_axis_name="s",
                                  num_cores=nc, num_subcores=ns)

    @functools.partial(
        pl.kernel,
        out_type=(
            jax.ShapeDtypeStruct((N, VP), jnp.float32),
            jax.ShapeDtypeStruct((nw * LANES,), jnp.float32),
        ),
        mesh=mesh,
        compiler_params=pltpu.CompilerParams(needs_layout_passes=False,
                                             use_tc_tiling_on_sc=True),
        scratch_types=[
            pltpu.VMEM((per_w,), jnp.int32),
            pltpu.VMEM((per_w,), jnp.int32),
            pltpu.VMEM((V,), jnp.float32),
            [pltpu.VMEM((chunk, VP), jnp.float32)] * NBUF,
            pltpu.VMEM((LANES,), jnp.float32),
            [pltpu.SemaphoreType.DMA] * NBUF,
            [pltpu.SemaphoreType.DMA] * NBUF,
        ],
    )
    def sc_gather(table_hbm, idx_hbm, tgt_hbm, logz_hbm,
                  out_hbm, part_hbm,
                  idx_v, tgt_v, logz_v, bufs, acc_v, gsems, osems):
        wid = lax.axis_index("s") * nc + lax.axis_index("c")
        base = wid * per_w
        pltpu.sync_copy(idx_hbm.at[pl.ds(base, per_w)], idx_v)
        pltpu.sync_copy(tgt_hbm.at[pl.ds(base, per_w)], tgt_v)
        pltpu.sync_copy(logz_hbm, logz_v)

        def start_gather(c, b):
            pltpu.async_copy(table_hbm.at[idx_v.at[pl.ds(c * chunk, chunk)]],
                             bufs[b], gsems[b])

        def wait_gather(b):
            pltpu.make_async_copy(table_hbm.at[pl.ds(0, chunk)],
                                  bufs[b], gsems[b]).wait()

        def wait_out(b):
            pltpu.make_async_copy(bufs[b], out_hbm.at[pl.ds(0, chunk)],
                                  osems[b]).wait()

        D = NBUF - 1
        for k in range(D):
            start_gather(k, k)

        def sub_iter(cidx, b, acc):
            @pl.when(cidx >= 1)
            def _():
                wait_out((b + D) % NBUF)

            @pl.when(cidx + D < nchunks)
            def _():
                start_gather(cidx + D, (b + D) % NBUF)

            wait_gather(b)
            pltpu.async_copy(bufs[b],
                             out_hbm.at[pl.ds(base + cidx * chunk, chunk)],
                             osems[b])

            def jbody(j, a):
                jo = cidx * chunk + j * LANES
                iv = idx_v[pl.ds(jo, LANES)]
                tv = tgt_v[pl.ds(jo, LANES)]
                lz = plsc.load_gather(logz_v, [iv])
                rsel = lax.iota(jnp.int32, LANES) + j * LANES
                pk = plsc.load_gather(bufs[b], [rsel, tv])
                return a + lz - pk

            return lax.fori_loop(0, chunk // LANES, jbody, acc)

        def outer(o, acc):
            for s in range(NBUF):
                acc = sub_iter(o * NBUF + s, s, acc)
            return acc

        acc = lax.fori_loop(0, main // NBUF, outer,
                            jnp.zeros((LANES,), jnp.float32))
        for cidx in range(main, nchunks):
            acc = sub_iter(cidx, cidx % NBUF, acc)
        wait_out((nchunks - 1) % NBUF)
        acc_v[...] = acc
        pltpu.sync_copy(acc_v, part_hbm.at[pl.ds(wid * LANES, LANES)])

    return sc_gather


def kernel(idx, targets, table):
    idx_f = idx.reshape(N)
    tgt_f = targets.reshape(N)
    row_logz_2d, table_p = _prep(table)
    row_logz = row_logz_2d.reshape(V)
    info = plsc.get_sparse_core_info()
    sc_gather = _make_sc_gather(info.num_cores, info.num_subcores, chunk=32)
    logits_p, parts = sc_gather(table_p, idx_f, tgt_f, row_logz)
    logits = logits_p[:, :V]
    loss = jnp.sum(parts) / N
    return logits, loss

# --- scband reference (transcript-rebuilt; emitter-appended) ---
"""Pipeline reference for scband-bigram-language-model-20057497272382 (READ-ONLY COPY).

The authoritative reference and input builder live on the scoring server;
editing this copy changes nothing except your own understanding.
"""

import jax, jax.numpy as jnp
import numpy as np

VOCAB = 1000
B, T = 1024, 50

def setup_inputs(seed: int = 0) -> dict:
    key = jax.random.key(seed)
    k1, k2, k3 = jax.random.split(key, 3)
    idx = jax.random.randint(k1, (B, T), 0, VOCAB, dtype=jnp.int32)
    targets = jax.random.randint(k2, (B, T), 0, VOCAB, dtype=jnp.int32)
    # nn.Embedding default init: N(0, 1)
    table = jax.random.normal(k3, (VOCAB, VOCAB), dtype=jnp.float32)
    return {"idx": idx, "targets": targets, "table": table}

def reference(idx, targets, table):
    # logits = token_embedding_table(idx)
    logits = jnp.take(table, idx, axis=0)  # [B, T, V]
    b, t, v = logits.shape
    logits = logits.reshape(b * t, v)
    tgt = targets.reshape(b * t)
    # F.cross_entropy(logits, targets) with mean reduction
    logz = jax.scipy.special.logsumexp(logits, axis=-1)
    picked = jnp.take_along_axis(logits, tgt[:, None], axis=1)[:, 0]
    loss = jnp.mean(logz - picked)
    return logits, loss

if __name__ == "__main__":
    import jax
    _d = setup_inputs()
    print(jax.jit(kernel)(*tuple(_d.values())))

</pallas_src>

<mosaic_0001>
#map = affine_map<(d0, d1) -> (0, 0)>
#map1 = affine_map<(d0, d1) -> (0)>
module attributes {stable_mosaic.version = 14 : i64} {
  func.func @sc_gather(%arg0: i32, %arg1: i32, %arg2: memref<1000x1024xf32, #tpu.memory_space<hbm>>, %arg3: memref<51200xi32, #tpu.memory_space<hbm>>, %arg4: memref<51200xi32, #tpu.memory_space<hbm>>, %arg5: memref<1000xf32, #tpu.memory_space<hbm>>, %arg6: memref<51200x1024xf32, #tpu.memory_space<hbm>>, %arg7: memref<512xf32, #tpu.memory_space<hbm>>, %arg8: memref<1600xi32, #tpu.memory_space<vmem>>, %arg9: memref<1600xi32, #tpu.memory_space<vmem>>, %arg10: memref<1000xf32, #tpu.memory_space<vmem>>, %arg11: memref<32x1024xf32, #tpu.memory_space<vmem>>, %arg12: memref<32x1024xf32, #tpu.memory_space<vmem>>, %arg13: memref<32x1024xf32, #tpu.memory_space<vmem>>, %arg14: memref<16xf32, #tpu.memory_space<vmem>>, %arg15: memref<!tpu.dma_semaphore, #tpu.memory_space<semaphore_mem>>, %arg16: memref<!tpu.dma_semaphore, #tpu.memory_space<semaphore_mem>>, %arg17: memref<!tpu.dma_semaphore, #tpu.memory_space<semaphore_mem>>, %arg18: memref<!tpu.dma_semaphore, #tpu.memory_space<semaphore_mem>>, %arg19: memref<!tpu.dma_semaphore, #tpu.memory_space<semaphore_mem>>, %arg20: memref<!tpu.dma_semaphore, #tpu.memory_space<semaphore_mem>>) attributes {dimension_semantics = [#tpu.dimension_semantics<core_parallel>, #tpu.dimension_semantics<subcore_parallel>], iteration_bounds = array<i64: 2, 16>, scalar_prefetch = 0 : i64, scratch_operands = 13 : i64, tpu.core_type = #tpu.core_type<sc_vector_subcore>, window_params = [{transform_indices = #map}, {transform_indices = #map1}, {transform_indices = #map1}, {transform_indices = #map1}, {transform_indices = #map}, {transform_indices = #map1}]} {
    %mul3A = arith.constant 2 : i32
    %mul3A_0 = arith.muli %arg1, %mul3A : i32
    %add3A = arith.addi %mul3A_0, %arg0 : i32
    %mul3A_1 = arith.constant 1600 : i32
    %mul3A_2 = arith.muli %add3A, %mul3A_1 : i32
    "tpu.region"() ({
      %run_scoped3A = tpu.sem_alloc : memref<!tpu.dma_semaphore, #tpu.memory_space<semaphore_mem>>
      %dma_start3A_74 = tpu.memref_slice %arg3[%mul3A_2] : memref<51200xi32, #tpu.memory_space<hbm>> -> memref<1600xi32, #tpu.memory_space<hbm>>
      %dma_start3A_75 = tpu.memref_slice %arg3[%mul3A_2] : memref<51200xi32, #tpu.memory_space<hbm>> -> memref<1600xi32, #tpu.memory_space<hbm>>
      tpu.enqueue_dma source(%dma_start3A_75 : memref<1600xi32, #tpu.memory_space<hbm>>) target(%arg8 : memref<1600xi32, #tpu.memory_space<vmem>>) target_semaphore(%run_scoped3A : memref<!tpu.dma_semaphore, #tpu.memory_space<semaphore_mem>>)
      %dma_wait3A_76 = tpu.memref_slice %arg3[%mul3A_2] : memref<51200xi32, #tpu.memory_space<hbm>> -> memref<1600xi32, #tpu.memory_space<hbm>>
      %dma_wait3A_77 = tpu.memref_slice %arg3[%mul3A_2] : memref<51200xi32, #tpu.memory_space<hbm>> -> memref<1600xi32, #tpu.memory_space<hbm>>
      tpu.wait_dma2 semaphore(%run_scoped3A : memref<!tpu.dma_semaphore, #tpu.memory_space<semaphore_mem>>) src(%dma_wait3A_77 : memref<1600xi32, #tpu.memory_space<hbm>>) dst(%arg8 : memref<1600xi32, #tpu.memory_space<vmem>>)
      tpu.yield
    }) : () -> ()
    "tpu.region"() ({
      %run_scoped3A = tpu.sem_alloc : memref<!tpu.dma_semaphore, #tpu.memory_space<semaphore_mem>>
      %dma_start3A_74 = tpu.memref_slice %arg4[%mul3A_2] : memref<51200xi32, #tpu.memory_space<hbm>> -> memref<1600xi32, #tpu.memory_space<hbm>>
      %dma_start3A_75 = tpu.memref_slice %arg4[%mul3A_2] : memref<51200xi32, #tpu.memory_space<hbm>> -> memref<1600xi32, #tpu.memory_space<hbm>>
      tpu.enqueue_dma source(%dma_start3A_75 : memref<1600xi32, #tpu.memory_space<hbm>>) target(%arg9 : memref<1600xi32, #tpu.memory_space<vmem>>) target_semaphore(%run_scoped3A : memref<!tpu.dma_semaphore, #tpu.memory_space<semaphore_mem>>)
      %dma_wait3A_76 = tpu.memref_slice %arg4[%mul3A_2] : memref<51200xi32, #tpu.memory_space<hbm>> -> memref<1600xi32, #tpu.memory_space<hbm>>
      %dma_wait3A_77 = tpu.memref_slice %arg4[%mul3A_2] : memref<51200xi32, #tpu.memory_space<hbm>> -> memref<1600xi32, #tpu.memory_space<hbm>>
      tpu.wait_dma2 semaphore(%run_scoped3A : memref<!tpu.dma_semaphore, #tpu.memory_space<semaphore_mem>>) src(%dma_wait3A_77 : memref<1600xi32, #tpu.memory_space<hbm>>) dst(%arg9 : memref<1600xi32, #tpu.memory_space<vmem>>)
      tpu.yield
    }) : () -> ()
    "tpu.region"() ({
      %run_scoped3A = tpu.sem_alloc : memref<!tpu.dma_semaphore, #tpu.memory_space<semaphore_mem>>
      tpu.enqueue_dma source(%arg5 : memref<1000xf32, #tpu.memory_space<hbm>>) target(%arg10 : memref<1000xf32, #tpu.memory_space<vmem>>) target_semaphore(%run_scoped3A : memref<!tpu.dma_semaphore, #tpu.memory_space<semaphore_mem>>)
      tpu.wait_dma2 semaphore(%run_scoped3A : memref<!tpu.dma_semaphore, #tpu.memory_space<semaphore_mem>>) src(%arg5 : memref<1000xf32, #tpu.memory_space<hbm>>) dst(%arg10 : memref<1000xf32, #tpu.memory_space<vmem>>)
      tpu.yield
    }) : () -> ()
    %dma_start3A = arith.constant 0 : i32
    %dma_start3A_3 = tpu.memref_slice %arg8[%dma_start3A] : memref<1600xi32, #tpu.memory_space<vmem>> -> memref<32xi32, #tpu.memory_space<vmem>>
    %dma_start3A_4 = arith.constant 0 : i32
    %dma_start3A_5 = arith.constant 0 : i32
    %dma_start3A_6 = tpu.memref_slice %arg2[%dma_start3A_4, %dma_start3A_5] : memref<1000x1024xf32, #tpu.memory_space<hbm>> -> memref<1000x1024xf32, #tpu.memory_space<hbm>>
    tpu.enqueue_indirect_dma source(%dma_start3A_6 : memref<1000x1024xf32, #tpu.memory_space<hbm>>) target(%arg11 : memref<32x1024xf32, #tpu.memory_space<vmem>>) offsets(%dma_start3A_3 : memref<32xi32, #tpu.memory_space<vmem>>) semaphore(%arg15 : memref<!tpu.dma_semaphore, #tpu.memory_space<semaphore_mem>>)
    %dma_start3A_7 = arith.constant 32 : i32
    %dma_start3A_8 = tpu.memref_slice %arg8[%dma_start3A_7] : memref<1600xi32, #tpu.memory_space<vmem>> -> memref<32xi32, #tpu.memory_space<vmem>>
    %dma_start3A_9 = arith.constant 0 : i32
    %dma_start3A_10 = arith.constant 0 : i32
    %dma_start3A_11 = tpu.memref_slice %arg2[%dma_start3A_9, %dma_start3A_10] : memref<1000x1024xf32, #tpu.memory_space<hbm>> -> memref<1000x1024xf32, #tpu.memory_space<hbm>>
    tpu.enqueue_indirect_dma source(%dma_start3A_11 : memref<1000x1024xf32, #tpu.memory_space<hbm>>) target(%arg12 : memref<32x1024xf32, #tpu.memory_space<vmem>>) offsets(%dma_start3A_8 : memref<32xi32, #tpu.memory_space<vmem>>) semaphore(%arg16 : memref<!tpu.dma_semaphore, #tpu.memory_space<semaphore_mem>>)
    %broadcast_in_dim3A = arith.constant 0.000000e+00 : f32
    %broadcast_in_dim3A_12 = vector.broadcast %broadcast_in_dim3A : f32 to vector<16xf32>
    %scan3A = arith.constant 0 : i32
    %scan3A_13 = arith.constant 16 : i32
    %scan3A_14 = arith.addi %scan3A, %scan3A_13 : i32
    %scan3A_15 = arith.constant 1 : i32
    %scan3A_16 = scf.for %scan3A_74 = %scan3A to %scan3A_14 step %scan3A_15 iter_args(%scan3A_75 = %broadcast_in_dim3A_12) -> (vector<16xf32>)  : i32 {
      %mul3A_76 = arith.constant 3 : i32
      %mul3A_77 = arith.muli %scan3A_74, %mul3A_76 : i32
      %add3A_78 = arith.constant 0 : i32
      %add3A_79 = arith.addi %mul3A_77, %add3A_78 : i32
      %ge3A = arith.constant 1 : i32
      %ge3A_80 = arith.cmpi sge, %add3A_79, %ge3A : i32
      %convert_element_type3A = arith.extui %ge3A_80 : i1 to i32
      %cond3A = arith.constant 0 : i32
      %cond3A_81 = arith.cmpi ne, %convert_element_type3A, %cond3A : i32
      scf.if %cond3A_81 {
        %dma_wait3A_177 = arith.constant 0 : i32
        %dma_wait3A_178 = arith.constant 0 : i32
        %dma_wait3A_179 = tpu.memref_slice %arg6[%dma_wait3A_177, %dma_wait3A_178] : memref<51200x1024xf32, #tpu.memory_space<hbm>> -> memref<32x1024xf32, #tpu.memory_space<hbm>>
        %dma_wait3A_180 = arith.constant 0 : i32
        %dma_wait3A_181 = arith.constant 0 : i32
        %dma_wait3A_182 = tpu.memref_slice %arg6[%dma_wait3A_180, %dma_wait3A_181] : memref<51200x1024xf32, #tpu.memory_space<hbm>> -> memref<32x1024xf32, #tpu.memory_space<hbm>>
        tpu.wait_dma2 semaphore(%arg20 : memref<!tpu.dma_semaphore, #tpu.memory_space<semaphore_mem>>) src(%arg13 : memref<32x1024xf32, #tpu.memory_space<vmem>>) dst(%dma_wait3A_182 : memref<32x1024xf32, #tpu.memory_space<hbm>>)
      } else {
      }
      %add3A_82 = arith.constant 2 : i32
      %add3A_83 = arith.addi %add3A_79, %add3A_82 : i32
      %lt3A = arith.constant 50 : i32
      %lt3A_84 = arith.cmpi slt, %add3A_83, %lt3A : i32
      %convert_element_type3A_85 = arith.extui %lt3A_84 : i1 to i32
      %cond3A_86 = arith.constant 0 : i32
      %cond3A_87 = arith.cmpi ne, %convert_element_type3A_85, %cond3A_86 : i32
      scf.if %cond3A_87 {
        %add3A_177 = arith.constant 2 : i32
        %add3A_178 = arith.addi %add3A_79, %add3A_177 : i32
        %mul3A_179 = arith.constant 32 : i32
        %mul3A_180 = arith.muli %add3A_178, %mul3A_179 : i32
        %dma_start3A_181 = tpu.memref_slice %arg8[%mul3A_180] : memref<1600xi32, #tpu.memory_space<vmem>> -> memref<32xi32, #tpu.memory_space<vmem>>
        %dma_start3A_182 = arith.constant 0 : i32
        %dma_start3A_183 = arith.constant 0 : i32
        %dma_start3A_184 = tpu.memref_slice %arg2[%dma_start3A_182, %dma_start3A_183] : memref<1000x1024xf32, #tpu.memory_space<hbm>> -> memref<1000x1024xf32, #tpu.memory_space<hbm>>
        tpu.enqueue_indirect_dma source(%dma_start3A_184 : memref<1000x1024xf32, #tpu.memory_space<hbm>>) target(%arg13 : memref<32x1024xf32, #tpu.memory_space<vmem>>) offsets(%dma_start3A_181 : memref<32xi32, #tpu.memory_space<vmem>>) semaphore(%arg17 : memref<!tpu.dma_semaphore, #tpu.memory_space<semaphore_mem>>)
      } else {
      }
      %dma_wait3A_88 = arith.constant 0 : i32
      %dma_wait3A_89 = arith.constant 0 : i32
      %dma_wait3A_90 = tpu.memref_slice %arg2[%dma_wait3A_88, %dma_wait3A_89] : memref<1000x1024xf32, #tpu.memory_space<hbm>> -> memref<32x1024xf32, #tpu.memory_space<hbm>>
      %dma_wait3A_91 = arith.constant 0 : i32
      %dma_wait3A_92 = arith.constant 0 : i32
      %dma_wait3A_93 = tpu.memref_slice %arg2[%dma_wait3A_91, %dma_wait3A_92] : memref<1000x1024xf32, #tpu.memory_space<hbm>> -> memref<32x1024xf32, #tpu.memory_space<hbm>>
      tpu.wait_dma2 semaphore(%arg15 : memref<!tpu.dma_semaphore, #tpu.memory_space<semaphore_mem>>) src(%dma_wait3A_93 : memref<32x1024xf32, #tpu.memory_space<hbm>>) dst(%arg11 : memref<32x1024xf32, #tpu.memory_space<vmem>>)
      %mul3A_94 = arith.constant 32 : i32
      %mul3A_95 = arith.muli %add3A_79, %mul3A_94 : i32
      %add3A_96 = arith.addi %mul3A_2, %mul3A_95 : i32
      %dma_start3A_97 = arith.constant 0 : i32
      %dma_start3A_98 = tpu.memref_slice %arg6[%add3A_96, %dma_start3A_97] : memref<51200x1024xf32, #tpu.memory_space<hbm>> -> memref<32x1024xf32, #tpu.memory_space<hbm>>
      %dma_start3A_99 = arith.constant 0 : i32
      %dma_start3A_100 = tpu.memref_slice %arg6[%add3A_96, %dma_start3A_99] : memref<51200x1024xf32, #tpu.memory_space<hbm>> -> memref<32x1024xf32, #tpu.memory_space<hbm>>
      tpu.enqueue_dma source(%arg11 : memref<32x1024xf32, #tpu.memory_space<vmem>>) target(%dma_start3A_100 : memref<32x1024xf32, #tpu.memory_space<hbm>>) target_semaphore(%arg18 : memref<!tpu.dma_semaphore, #tpu.memory_space<semaphore_mem>>)
      %scan3A_101 = arith.constant 0 : i32
      %scan3A_102 = arith.constant 2 : i32
      %scan3A_103 = arith.addi %scan3A_101, %scan3A_102 : i32
      %scan3A_104 = arith.constant 1 : i32
      %scan3A_105 = scf.for %scan3A_177 = %scan3A_101 to %scan3A_103 step %scan3A_104 iter_args(%scan3A_178 = %scan3A_75) -> (vector<16xf32>)  : i32 {
        %mul3A_179 = arith.constant 32 : i32
        %mul3A_180 = arith.muli %add3A_79, %mul3A_179 : i32
        %mul3A_181 = arith.constant 16 : i32
        %mul3A_182 = arith.muli %scan3A_177, %mul3A_181 : i32
        %add3A_183 = arith.addi %mul3A_180, %mul3A_182 : i32
        %get3A = arith.index_cast %add3A_183 : i32 to index
        %get3A_184 = tpu.vector_load %arg8[%get3A] {strides = array<i32>} : memref<1600xi32, #tpu.memory_space<vmem>>, vector<16xi32>,
        %get3A_185 = arith.index_cast %add3A_183 : i32 to index
        %get3A_186 = tpu.vector_load %arg9[%get3A_185] {strides = array<i32>} : memref<1600xi32, #tpu.memory_space<vmem>>, vector<16xi32>,
        %gather3A = tpu.vector_load_idx %arg10[%get3A_184] : memref<1000xf32, #tpu.memory_space<vmem>>[vector<16xi32>], vector<16xf32>,
        %iota3A = tpu.iota {dimensions = array<i32: 0>} : vector<16xi32>
        %mul3A_187 = arith.constant 16 : i32
        %mul3A_188 = arith.muli %scan3A_177, %mul3A_187 : i32
        %add3A_189 = vector.broadcast %mul3A_188 : i32 to vector<16xi32>
        %add3A_190 = arith.addi %iota3A, %add3A_189 : vector<16xi32>
        %gather3A_191 = tpu.vector_load_idx %arg11[%add3A_190, %get3A_186] : memref<32x1024xf32, #tpu.memory_space<vmem>>[vector<16xi32>, vector<16xi32>], vector<16xf32>,
        %add3A_192 = arith.addf %scan3A_178, %gather3A : vector<16xf32>
        %sub3A = arith.subf %add3A_192, %gather3A_191 : vector<16xf32>
        scf.yield %sub3A : vector<16xf32>
      }
      %scan3A_106 = arith.constant 2 : i32
      %mul3A_107 = arith.constant 3 : i32
      %mul3A_108 = arith.muli %scan3A_74, %mul3A_107 : i32
      %add3A_109 = arith.constant 1 : i32
      %add3A_110 = arith.addi %mul3A_108, %add3A_109 : i32
      %ge3A_111 = arith.constant 1 : i32
      %ge3A_112 = arith.cmpi sge, %add3A_110, %ge3A_111 : i32
      %convert_element_type3A_113 = arith.extui %ge3A_112 : i1 to i32
      %cond3A_114 = arith.constant 0 : i32
      %cond3A_115 = arith.cmpi ne, %convert_element_type3A_113, %cond3A_114 : i32
      scf.if %cond3A_115 {
        %dma_wait3A_177 = arith.constant 0 : i32
        %dma_wait3A_178 = arith.constant 0 : i32
        %dma_wait3A_179 = tpu.memref_slice %arg6[%dma_wait3A_177, %dma_wait3A_178] : memref<51200x1024xf32, #tpu.memory_space<hbm>> -> memref<32x1024xf32, #tpu.memory_space<hbm>>
        %dma_wait3A_180 = arith.constant 0 : i32
        %dma_wait3A_181 = arith.constant 0 : i32
        %dma_wait3A_182 = tpu.memref_slice %arg6[%dma_wait3A_180, %dma_wait3A_181] : memref<51200x1024xf32, #tpu.memory_space<hbm>> -> memref<32x1024xf32, #tpu.memory_space<hbm>>
        tpu.wait_dma2 semaphore(%arg18 : memref<!tpu.dma_semaphore, #tpu.memory_space<semaphore_mem>>) src(%arg11 : memref<32x1024xf32, #tpu.memory_space<vmem>>) dst(%dma_wait3A_182 : memref<32x1024xf32, #tpu.memory_space<hbm>>)
      } else {
      }
      %add3A_116 = arith.constant 2 : i32
      %add3A_117 = arith.addi %add3A_110, %add3A_116 : i32
      %lt3A_118 = arith.constant 50 : i32
      %lt3A_119 = arith.cmpi slt, %add3A_117, %lt3A_118 : i32
      %convert_element_type3A_120 = arith.extui %lt3A_119 : i1 to i32
      %cond3A_121 = arith.constant 0 : i32
      %cond3A_122 = arith.cmpi ne, %convert_element_type3A_120, %cond3A_121 : i32
      scf.if %cond3A_122 {
        %add3A_177 = arith.constant 2 : i32
        %add3A_178 = arith.addi %add3A_110, %add3A_177 : i32
        %mul3A_179 = arith.constant 32 : i32
        %mul3A_180 = arith.muli %add3A_178, %mul3A_179 : i32
        %dma_start3A_181 = tpu.memref_slice %arg8[%mul3A_180] : memref<1600xi32, #tpu.memory_space<vmem>> -> memref<32xi32, #tpu.memory_space<vmem>>
        %dma_start3A_182 = arith.constant 0 : i32
        %dma_start3A_183 = arith.constant 0 : i32
        %dma_start3A_184 = tpu.memref_slice %arg2[%dma_start3A_182, %dma_start3A_183] : memref<1000x1024xf32, #tpu.memory_space<hbm>> -> memref<1000x1024xf32, #tpu.memory_space<hbm>>
        tpu.enqueue_indirect_dma source(%dma_start3A_184 : memref<1000x1024xf32, #tpu.memory_space<hbm>>) target(%arg11 : memref<32x1024xf32, #tpu.memory_space<vmem>>) offsets(%dma_start3A_181 : memref<32xi32, #tpu.memory_space<vmem>>) semaphore(%arg15 : memref<!tpu.dma_semaphore, #tpu.memory_space<semaphore_mem>>)
      } else {
      }
      %dma_wait3A_123 = arith.constant 0 : i32
      %dma_wait3A_124 = arith.constant 0 : i32
      %dma_wait3A_125 = tpu.memref_slice %arg2[%dma_wait3A_123, %dma_wait3A_124] : memref<1000x1024xf32, #tpu.memory_space<hbm>> -> memref<32x1024xf32, #tpu.memory_space<hbm>>
      %dma_wait3A_126 = arith.constant 0 : i32
      %dma_wait3A_127 = arith.constant 0 : i32
      %dma_wait3A_128 = tpu.memref_slice %arg2[%dma_wait3A_126, %dma_wait3A_127] : memref<1000x1024xf32, #tpu.memory_space<hbm>> -> memref<32x1024xf32, #tpu.memory_space<hbm>>
      tpu.wait_dma2 semaphore(%arg16 : memref<!tpu.dma_semaphore, #tpu.memory_space<semaphore_mem>>) src(%dma_wait3A_128 : memref<32x1024xf32, #tpu.memory_space<hbm>>) dst(%arg12 : memref<32x1024xf32, #tpu.memory_space<vmem>>)
      %mul3A_129 = arith.constant 32 : i32
      %mul3A_130 = arith.muli %add3A_110, %mul3A_129 : i32
      %add3A_131 = arith.addi %mul3A_2, %mul3A_130 : i32
      %dma_start3A_132 = arith.constant 0 : i32
      %dma_start3A_133 = tpu.memref_slice %arg6[%add3A_131, %dma_start3A_132] : memref<51200x1024xf32, #tpu.memory_space<hbm>> -> memref<32x1024xf32, #tpu.memory_space<hbm>>
      %dma_start3A_134 = arith.constant 0 : i32
      %dma_start3A_135 = tpu.memref_slice %arg6[%add3A_131, %dma_start3A_134] : memref<51200x1024xf32, #tpu.memory_space<hbm>> -> memref<32x1024xf32, #tpu.memory_space<hbm>>
      tpu.enqueue_dma source(%arg12 : memref<32x1024xf32, #tpu.memory_space<vmem>>) target(%dma_start3A_135 : memref<32x1024xf32, #tpu.memory_space<hbm>>) target_semaphore(%arg19 : memref<!tpu.dma_semaphore, #tpu.memory_space<semaphore_mem>>)
      %scan3A_136 = arith.constant 0 : i32
      %scan3A_137 = arith.constant 2 : i32
      %scan3A_138 = arith.addi %scan3A_136, %scan3A_137 : i32
      %scan3A_139 = arith.constant 1 : i32
      %scan3A_140 = scf.for %scan3A_177 = %scan3A_136 to %scan3A_138 step %scan3A_139 iter_args(%scan3A_178 = %scan3A_105) -> (vector<16xf32>)  : i32 {
        %mul3A_179 = arith.constant 32 : i32
        %mul3A_180 = arith.muli %add3A_110, %mul3A_179 : i32
        %mul3A_181 = arith.constant 16 : i32
        %mul3A_182 = arith.muli %scan3A_177, %mul3A_181 : i32
        %add3A_183 = arith.addi %mul3A_180, %mul3A_182 : i32
        %get3A = arith.index_cast %add3A_183 : i32 to index
        %get3A_184 = tpu.vector_load %arg8[%get3A] {strides = array<i32>} : memref<1600xi32, #tpu.memory_space<vmem>>, vector<16xi32>,
        %get3A_185 = arith.index_cast %add3A_183 : i32 to index
        %get3A_186 = tpu.vector_load %arg9[%get3A_185] {strides = array<i32>} : memref<1600xi32, #tpu.memory_space<vmem>>, vector<16xi32>,
        %gather3A = tpu.vector_load_idx %arg10[%get3A_184] : memref<1000xf32, #tpu.memory_space<vmem>>[vector<16xi32>], vector<16xf32>,
        %iota3A = tpu.iota {dimensions = array<i32: 0>} : vector<16xi32>
        %mul3A_187 = arith.constant 16 : i32
        %mul3A_188 = arith.muli %scan3A_177, %mul3A_187 : i32
        %add3A_189 = vector.broadcast %mul3A_188 : i32 to vector<16xi32>
        %add3A_190 = arith.addi %iota3A, %add3A_189 : vector<16xi32>
        %gather3A_191 = tpu.vector_load_idx %arg12[%add3A_190, %get3A_186] : memref<32x1024xf32, #tpu.memory_space<vmem>>[vector<16xi32>, vector<16xi32>], vector<16xf32>,
        %add3A_192 = arith.addf %scan3A_178, %gather3A : vector<16xf32>
        %sub3A = arith.subf %add3A_192, %gather3A_191 : vector<16xf32>
        scf.yield %sub3A : vector<16xf32>
      }
      %scan3A_141 = arith.constant 2 : i32
      %mul3A_142 = arith.constant 3 : i32
      %mul3A_143 = arith.muli %scan3A_74, %mul3A_142 : i32
      %add3A_144 = arith.constant 2 : i32
      %add3A_145 = arith.addi %mul3A_143, %add3A_144 : i32
      %ge3A_146 = arith.constant 1 : i32
      %ge3A_147 = arith.cmpi sge, %add3A_145, %ge3A_146 : i32
      %convert_element_type3A_148 = arith.extui %ge3A_147 : i1 to i32
      %cond3A_149 = arith.constant 0 : i32
      %cond3A_150 = arith.cmpi ne, %convert_element_type3A_148, %cond3A_149 : i32
      scf.if %cond3A_150 {
        %dma_wait3A_177 = arith.constant 0 : i32
        %dma_wait3A_178 = arith.constant 0 : i32
        %dma_wait3A_179 = tpu.memref_slice %arg6[%dma_wait3A_177, %dma_wait3A_178] : memref<51200x1024xf32, #tpu.memory_space<hbm>> -> memref<32x1024xf32, #tpu.memory_space<hbm>>
        %dma_wait3A_180 = arith.constant 0 : i32
        %dma_wait3A_181 = arith.constant 0 : i32
        %dma_wait3A_182 = tpu.memref_slice %arg6[%dma_wait3A_180, %dma_wait3A_181] : memref<51200x1024xf32, #tpu.memory_space<hbm>> -> memref<32x1024xf32, #tpu.memory_space<hbm>>
        tpu.wait_dma2 semaphore(%arg19 : memref<!tpu.dma_semaphore, #tpu.memory_space<semaphore_mem>>) src(%arg12 : memref<32x1024xf32, #tpu.memory_space<vmem>>) dst(%dma_wait3A_182 : memref<32x1024xf32, #tpu.memory_space<hbm>>)
      } else {
      }
      %add3A_151 = arith.constant 2 : i32
      %add3A_152 = arith.addi %add3A_145, %add3A_151 : i32
      %lt3A_153 = arith.constant 50 : i32
      %lt3A_154 = arith.cmpi slt, %add3A_152, %lt3A_153 : i32
      %convert_element_type3A_155 = arith.extui %lt3A_154 : i1 to i32
      %cond3A_156 = arith.constant 0 : i32
      %cond3A_157 = arith.cmpi ne, %convert_element_type3A_155, %cond3A_156 : i32
      scf.if %cond3A_157 {
        %add3A_177 = arith.constant 2 : i32
        %add3A_178 = arith.addi %add3A_145, %add3A_177 : i32
        %mul3A_179 = arith.constant 32 : i32
        %mul3A_180 = arith.muli %add3A_178, %mul3A_179 : i32
        %dma_start3A_181 = tpu.memref_slice %arg8[%mul3A_180] : memref<1600xi32, #tpu.memory_space<vmem>> -> memref<32xi32, #tpu.memory_space<vmem>>
        %dma_start3A_182 = arith.constant 0 : i32
        %dma_start3A_183 = arith.constant 0 : i32
        %dma_start3A_184 = tpu.memref_slice %arg2[%dma_start3A_182, %dma_start3A_183] : memref<1000x1024xf32, #tpu.memory_space<hbm>> -> memref<1000x1024xf32, #tpu.memory_space<hbm>>
        tpu.enqueue_indirect_dma source(%dma_start3A_184 : memref<1000x1024xf32, #tpu.memory_space<hbm>>) target(%arg12 : memref<32x1024xf32, #tpu.memory_space<vmem>>) offsets(%dma_start3A_181 : memref<32xi32, #tpu.memory_space<vmem>>) semaphore(%arg16 : memref<!tpu.dma_semaphore, #tpu.memory_space<semaphore_mem>>)
      } else {
      }
      %dma_wait3A_158 = arith.constant 0 : i32
      %dma_wait3A_159 = arith.constant 0 : i32
      %dma_wait3A_160 = tpu.memref_slice %arg2[%dma_wait3A_158, %dma_wait3A_159] : memref<1000x1024xf32, #tpu.memory_space<hbm>> -> memref<32x1024xf32, #tpu.memory_space<hbm>>
      %dma_wait3A_161 = arith.constant 0 : i32
      %dma_wait3A_162 = arith.constant 0 : i32
      %dma_wait3A_163 = tpu.memref_slice %arg2[%dma_wait3A_161, %dma_wait3A_162] : memref<1000x1024xf32, #tpu.memory_space<hbm>> -> memref<32x1024xf32, #tpu.memory_space<hbm>>
      tpu.wait_dma2 semaphore(%arg17 : memref<!tpu.dma_semaphore, #tpu.memory_space<semaphore_mem>>) src(%dma_wait3A_163 : memref<32x1024xf32, #tpu.memory_space<hbm>>) dst(%arg13 : memref<32x1024xf32, #tpu.memory_space<vmem>>)
      %mul3A_164 = arith.constant 32 : i32
      %mul3A_165 = arith.muli %add3A_145, %mul3A_164 : i32
      %add3A_166 = arith.addi %mul3A_2, %mul3A_165 : i32
      %dma_start3A_167 = arith.constant 0 : i32
      %dma_start3A_168 = tpu.memref_slice %arg6[%add3A_166, %dma_start3A_167] : memref<51200x1024xf32, #tpu.memory_space<hbm>> -> memref<32x1024xf32, #tpu.memory_space<hbm>>
      %dma_start3A_169 = arith.constant 0 : i32
      %dma_start3A_170 = tpu.memref_slice %arg6[%add3A_166, %dma_start3A_169] : memref<51200x1024xf32, #tpu.memory_space<hbm>> -> memref<32x1024xf32, #tpu.memory_space<hbm>>
      tpu.enqueue_dma source(%arg13 : memref<32x1024xf32, #tpu.memory_space<vmem>>) target(%dma_start3A_170 : memref<32x1024xf32, #tpu.memory_space<hbm>>) target_semaphore(%arg20 : memref<!tpu.dma_semaphore, #tpu.memory_space<semaphore_mem>>)
      %scan3A_171 = arith.constant 0 : i32
      %scan3A_172 = arith.constant 2 : i32
      %scan3A_173 = arith.addi %scan3A_171, %scan3A_172 : i32
      %scan3A_174 = arith.constant 1 : i32
      %scan3A_175 = scf.for %scan3A_177 = %scan3A_171 to %scan3A_173 step %scan3A_174 iter_args(%scan3A_178 = %scan3A_140) -> (vector<16xf32>)  : i32 {
        %mul3A_179 = arith.constant 32 : i32
        %mul3A_180 = arith.muli %add3A_145, %mul3A_179 : i32
        %mul3A_181 = arith.constant 16 : i32
        %mul3A_182 = arith.muli %scan3A_177, %mul3A_181 : i32
        %add3A_183 = arith.addi %mul3A_180, %mul3A_182 : i32
        %get3A = arith.index_cast %add3A_183 : i32 to index
        %get3A_184 = tpu.vector_load %arg8[%get3A] {strides = array<i32>} : memref<1600xi32, #tpu.memory_space<vmem>>, vector<16xi32>,
        %get3A_185 = arith.index_cast %add3A_183 : i32 to index
        %get3A_186 = tpu.vector_load %arg9[%get3A_185] {strides = array<i32>} : memref<1600xi32, #tpu.memory_space<vmem>>, vector<16xi32>,
        %gather3A = tpu.vector_load_idx %arg10[%get3A_184] : memref<1000xf32, #tpu.memory_space<vmem>>[vector<16xi32>], vector<16xf32>,
        %iota3A = tpu.iota {dimensions = array<i32: 0>} : vector<16xi32>
        %mul3A_187 = arith.constant 16 : i32
        %mul3A_188 = arith.muli %scan3A_177, %mul3A_187 : i32
        %add3A_189 = vector.broadcast %mul3A_188 : i32 to vector<16xi32>
        %add3A_190 = arith.addi %iota3A, %add3A_189 : vector<16xi32>
        %gather3A_191 = tpu.vector_load_idx %arg13[%add3A_190, %get3A_186] : memref<32x1024xf32, #tpu.memory_space<vmem>>[vector<16xi32>, vector<16xi32>], vector<16xf32>,
        %add3A_192 = arith.addf %scan3A_178, %gather3A : vector<16xf32>
        %sub3A = arith.subf %add3A_192, %gather3A_191 : vector<16xf32>
        scf.yield %sub3A : vector<16xf32>
      }
      %scan3A_176 = arith.constant 2 : i32
      scf.yield %scan3A_175 : vector<16xf32>
    }
    %scan3A_17 = arith.constant 16 : i32
    %dma_wait3A = arith.constant 0 : i32
    %dma_wait3A_18 = arith.constant 0 : i32
    %dma_wait3A_19 = tpu.memref_slice %arg6[%dma_wait3A, %dma_wait3A_18] : memref<51200x1024xf32, #tpu.memory_space<hbm>> -> memref<32x1024xf32, #tpu.memory_space<hbm>>
    %dma_wait3A_20 = arith.constant 0 : i32
    %dma_wait3A_21 = arith.constant 0 : i32
    %dma_wait3A_22 = tpu.memref_slice %arg6[%dma_wait3A_20, %dma_wait3A_21] : memref<51200x1024xf32, #tpu.memory_space<hbm>> -> memref<32x1024xf32, #tpu.memory_space<hbm>>
    tpu.wait_dma2 semaphore(%arg20 : memref<!tpu.dma_semaphore, #tpu.memory_space<semaphore_mem>>) src(%arg13 : memref<32x1024xf32, #tpu.memory_space<vmem>>) dst(%dma_wait3A_22 : memref<32x1024xf32, #tpu.memory_space<hbm>>)
    %dma_wait3A_23 = arith.constant 0 : i32
    %dma_wait3A_24 = arith.constant 0 : i32
    %dma_wait3A_25 = tpu.memref_slice %arg2[%dma_wait3A_23, %dma_wait3A_24] : memref<1000x1024xf32, #tpu.memory_space<hbm>> -> memref<32x1024xf32, #tpu.memory_space<hbm>>
    %dma_wait3A_26 = arith.constant 0 : i32
    %dma_wait3A_27 = arith.constant 0 : i32
    %dma_wait3A_28 = tpu.memref_slice %arg2[%dma_wait3A_26, %dma_wait3A_27] : memref<1000x1024xf32, #tpu.memory_space<hbm>> -> memref<32x1024xf32, #tpu.memory_space<hbm>>
    tpu.wait_dma2 semaphore(%arg15 : memref<!tpu.dma_semaphore, #tpu.memory_space<semaphore_mem>>) src(%dma_wait3A_28 : memref<32x1024xf32, #tpu.memory_space<hbm>>) dst(%arg11 : memref<32x1024xf32, #tpu.memory_space<vmem>>)
    %add3A_29 = arith.constant 1536 : i32
    %add3A_30 = arith.addi %mul3A_2, %add3A_29 : i32
    %dma_start3A_31 = arith.constant 0 : i32
    %dma_start3A_32 = tpu.memref_slice %arg6[%add3A_30, %dma_start3A_31] : memref<51200x1024xf32, #tpu.memory_space<hbm>> -> memref<32x1024xf32, #tpu.memory_space<hbm>>
    %dma_start3A_33 = arith.constant 0 : i32
    %dma_start3A_34 = tpu.memref_slice %arg6[%add3A_30, %dma_start3A_33] : memref<51200x1024xf32, #tpu.memory_space<hbm>> -> memref<32x1024xf32, #tpu.memory_space<hbm>>
    tpu.enqueue_dma source(%arg11 : memref<32x1024xf32, #tpu.memory_space<vmem>>) target(%dma_start3A_34 : memref<32x1024xf32, #tpu.memory_space<hbm>>) target_semaphore(%arg18 : memref<!tpu.dma_semaphore, #tpu.memory_space<semaphore_mem>>)
    %scan3A_35 = arith.constant 0 : i32
    %scan3A_36 = arith.constant 2 : i32
    %scan3A_37 = arith.addi %scan3A_35, %scan3A_36 : i32
    %scan3A_38 = arith.constant 1 : i32
    %scan3A_39 = scf.for %scan3A_74 = %scan3A_35 to %scan3A_37 step %scan3A_38 iter_args(%scan3A_75 = %scan3A_16) -> (vector<16xf32>)  : i32 {
      %mul3A_76 = arith.constant 16 : i32
      %mul3A_77 = arith.muli %scan3A_74, %mul3A_76 : i32
      %add3A_78 = arith.constant 1536 : i32
      %add3A_79 = arith.addi %add3A_78, %mul3A_77 : i32
      %get3A = arith.index_cast %add3A_79 : i32 to index
      %get3A_80 = tpu.vector_load %arg8[%get3A] {strides = array<i32>} : memref<1600xi32, #tpu.memory_space<vmem>>, vector<16xi32>,
      %get3A_81 = arith.index_cast %add3A_79 : i32 to index
      %get3A_82 = tpu.vector_load %arg9[%get3A_81] {strides = array<i32>} : memref<1600xi32, #tpu.memory_space<vmem>>, vector<16xi32>,
      %gather3A = tpu.vector_load_idx %arg10[%get3A_80] : memref<1000xf32, #tpu.memory_space<vmem>>[vector<16xi32>], vector<16xf32>,
      %iota3A = tpu.iota {dimensions = array<i32: 0>} : vector<16xi32>
      %mul3A_83 = arith.constant 16 : i32
      %mul3A_84 = arith.muli %scan3A_74, %mul3A_83 : i32
      %add3A_85 = vector.broadcast %mul3A_84 : i32 to vector<16xi32>
      %add3A_86 = arith.addi %iota3A, %add3A_85 : vector<16xi32>
      %gather3A_87 = tpu.vector_load_idx %arg11[%add3A_86, %get3A_82] : memref<32x1024xf32, #tpu.memory_space<vmem>>[vector<16xi32>, vector<16xi32>], vector<16xf32>,
      %add3A_88 = arith.addf %scan3A_75, %gather3A : vector<16xf32>
      %sub3A = arith.subf %add3A_88, %gather3A_87 : vector<16xf32>
      scf.yield %sub3A : vector<16xf32>
    }
    %scan3A_40 = arith.constant 2 : i32
    %dma_wait3A_41 = arith.constant 0 : i32
    %dma_wait3A_42 = arith.constant 0 : i32
    %dma_wait3A_43 = tpu.memref_slice %arg6[%dma_wait3A_41, %dma_wait3A_42] : memref<51200x1024xf32, #tpu.memory_space<hbm>> -> memref<32x1024xf32, #tpu.memory_space<hbm>>
    %dma_wait3A_44 = arith.constant 0 : i32
    %dma_wait3A_45 = arith.constant 0 : i32
    %dma_wait3A_46 = tpu.memref_slice %arg6[%dma_wait3A_44, %dma_wait3A_45] : memref<51200x1024xf32, #tpu.memory_space<hbm>> -> memref<32x1024xf32, #tpu.memory_space<hbm>>
    tpu.wait_dma2 semaphore(%arg18 : memref<!tpu.dma_semaphore, #tpu.memory_space<semaphore_mem>>) src(%arg11 : memref<32x1024xf32, #tpu.memory_space<vmem>>) dst(%dma_wait3A_46 : memref<32x1024xf32, #tpu.memory_space<hbm>>)
    %dma_wait3A_47 = arith.constant 0 : i32
    %dma_wait3A_48 = arith.constant 0 : i32
    %dma_wait3A_49 = tpu.memref_slice %arg2[%dma_wait3A_47, %dma_wait3A_48] : memref<1000x1024xf32, #tpu.memory_space<hbm>> -> memref<32x1024xf32, #tpu.memory_space<hbm>>
    %dma_wait3A_50 = arith.constant 0 : i32
    %dma_wait3A_51 = arith.constant 0 : i32
    %dma_wait3A_52 = tpu.memref_slice %arg2[%dma_wait3A_50, %dma_wait3A_51] : memref<1000x1024xf32, #tpu.memory_space<hbm>> -> memref<32x1024xf32, #tpu.memory_space<hbm>>
    tpu.wait_dma2 semaphore(%arg16 : memref<!tpu.dma_semaphore, #tpu.memory_space<semaphore_mem>>) src(%dma_wait3A_52 : memref<32x1024xf32, #tpu.memory_space<hbm>>) dst(%arg12 : memref<32x1024xf32, #tpu.memory_space<vmem>>)
    %add3A_53 = arith.constant 1568 : i32
    %add3A_54 = arith.addi %mul3A_2, %add3A_53 : i32
    %dma_start3A_55 = arith.constant 0 : i32
    %dma_start3A_56 = tpu.memref_slice %arg6[%add3A_54, %dma_start3A_55] : memref<51200x1024xf32, #tpu.memory_space<hbm>> -> memref<32x1024xf32, #tpu.memory_space<hbm>>
    %dma_start3A_57 = arith.constant 0 : i32
    %dma_start3A_58 = tpu.memref_slice %arg6[%add3A_54, %dma_start3A_57] : memref<51200x1024xf32, #tpu.memory_space<hbm>> -> memref<32x1024xf32, #tpu.memory_space<hbm>>
    tpu.enqueue_dma source(%arg12 : memref<32x1024xf32, #tpu.memory_space<vmem>>) target(%dma_start3A_58 : memref<32x1024xf32, #tpu.memory_space<hbm>>) target_semaphore(%arg19 : memref<!tpu.dma_semaphore, #tpu.memory_space<semaphore_mem>>)
    %scan3A_59 = arith.constant 0 : i32
    %scan3A_60 = arith.constant 2 : i32
    %scan3A_61 = arith.addi %scan3A_59, %scan3A_60 : i32
    %scan3A_62 = arith.constant 1 : i32
    %scan3A_63 = scf.for %scan3A_74 = %scan3A_59 to %scan3A_61 step %scan3A_62 iter_args(%scan3A_75 = %scan3A_39) -> (vector<16xf32>)  : i32 {
      %mul3A_76 = arith.constant 16 : i32
      %mul3A_77 = arith.muli %scan3A_74, %mul3A_76 : i32
      %add3A_78 = arith.constant 1568 : i32
      %add3A_79 = arith.addi %add3A_78, %mul3A_77 : i32
      %get3A = arith.index_cast %add3A_79 : i32 to index
      %get3A_80 = tpu.vector_load %arg8[%get3A] {strides = array<i32>} : memref<1600xi32, #tpu.memory_space<vmem>>, vector<16xi32>,
      %get3A_81 = arith.index_cast %add3A_79 : i32 to index
      %get3A_82 = tpu.vector_load %arg9[%get3A_81] {strides = array<i32>} : memref<1600xi32, #tpu.memory_space<vmem>>, vector<16xi32>,
      %gather3A = tpu.vector_load_idx %arg10[%get3A_80] : memref<1000xf32, #tpu.memory_space<vmem>>[vector<16xi32>], vector<16xf32>,
      %iota3A = tpu.iota {dimensions = array<i32: 0>} : vector<16xi32>
      %mul3A_83 = arith.constant 16 : i32
      %mul3A_84 = arith.muli %scan3A_74, %mul3A_83 : i32
      %add3A_85 = vector.broadcast %mul3A_84 : i32 to vector<16xi32>
      %add3A_86 = arith.addi %iota3A, %add3A_85 : vector<16xi32>
      %gather3A_87 = tpu.vector_load_idx %arg12[%add3A_86, %get3A_82] : memref<32x1024xf32, #tpu.memory_space<vmem>>[vector<16xi32>, vector<16xi32>], vector<16xf32>,
      %add3A_88 = arith.addf %scan3A_75, %gather3A : vector<16xf32>
      %sub3A = arith.subf %add3A_88, %gather3A_87 : vector<16xf32>
      scf.yield %sub3A : vector<16xf32>
    }
    %scan3A_64 = arith.constant 2 : i32
    %dma_wait3A_65 = arith.constant 0 : i32
    %dma_wait3A_66 = arith.constant 0 : i32
    %dma_wait3A_67 = tpu.memref_slice %arg6[%dma_wait3A_65, %dma_wait3A_66] : memref<51200x1024xf32, #tpu.memory_space<hbm>> -> memref<32x1024xf32, #tpu.memory_space<hbm>>
    %dma_wait3A_68 = arith.constant 0 : i32
    %dma_wait3A_69 = arith.constant 0 : i32
    %dma_wait3A_70 = tpu.memref_slice %arg6[%dma_wait3A_68, %dma_wait3A_69] : memref<51200x1024xf32, #tpu.memory_space<hbm>> -> memref<32x1024xf32, #tpu.memory_space<hbm>>
    tpu.wait_dma2 semaphore(%arg19 : memref<!tpu.dma_semaphore, #tpu.memory_space<semaphore_mem>>) src(%arg12 : memref<32x1024xf32, #tpu.memory_space<vmem>>) dst(%dma_wait3A_70 : memref<32x1024xf32, #tpu.memory_space<hbm>>)
    %swap3A = arith.constant 0 : index
    %swap3A_71 = tpu.vector_load %arg14[%swap3A] {strides = array<i32>} : memref<16xf32, #tpu.memory_space<vmem>>, vector<16xf32>,
    tpu.vector_store %arg14[%swap3A], %scan3A_63 {strides = array<i32>} : memref<16xf32, #tpu.memory_space<vmem>>, vector<16xf32>,
    %mul3A_72 = arith.constant 16 : i32
    %mul3A_73 = arith.muli %add3A, %mul3A_72 : i32
    "tpu.region"() ({
      %run_scoped3A = tpu.sem_alloc : memref<!tpu.dma_semaphore, #tpu.memory_space<semaphore_mem>>
      %dma_start3A_74 = tpu.memref_slice %arg7[%mul3A_73] : memref<512xf32, #tpu.memory_space<hbm>> -> memref<16xf32, #tpu.memory_space<hbm>>
      %dma_start3A_75 = tpu.memref_slice %arg7[%mul3A_73] : memref<512xf32, #tpu.memory_space<hbm>> -> memref<16xf32, #tpu.memory_space<hbm>>
      tpu.enqueue_dma source(%arg14 : memref<16xf32, #tpu.memory_space<vmem>>) target(%dma_start3A_75 : memref<16xf32, #tpu.memory_space<hbm>>) target_semaphore(%run_scoped3A : memref<!tpu.dma_semaphore, #tpu.memory_space<semaphore_mem>>)
      %dma_wait3A_76 = tpu.memref_slice %arg7[%mul3A_73] : memref<512xf32, #tpu.memory_space<hbm>> -> memref<16xf32, #tpu.memory_space<hbm>>
      %dma_wait3A_77 = tpu.memref_slice %arg7[%mul3A_73] : memref<512xf32, #tpu.memory_space<hbm>> -> memref<16xf32, #tpu.memory_space<hbm>>
      tpu.wait_dma2 semaphore(%run_scoped3A : memref<!tpu.dma_semaphore, #tpu.memory_space<semaphore_mem>>) src(%arg14 : memref<16xf32, #tpu.memory_space<vmem>>) dst(%dma_wait3A_77 : memref<16xf32, #tpu.memory_space<hbm>>)
      tpu.yield
    }) : () -> ()
    return
  }
}

module attributes {stable_mosaic.version = 14 : i64} {
  func.func @_prep_body(%arg0: memref<1000x1000xf32, #tpu.memory_space<vmem>>, %arg1: memref<1000x1xf32, #tpu.memory_space<vmem>>, %arg2: memref<1000x1024xf32, #tpu.memory_space<vmem>>) attributes {dimension_semantics = [], scalar_prefetch = 0 : i64, scratch_operands = 0 : i64, tpu.core_type = #tpu.core_type<tc>} {
    %get3A = arith.constant 0 : index
    %get3A_0 = arith.constant 0 : index
    %get3A_1 = vector.load %arg0[%get3A, %get3A_0] : memref<1000x1000xf32, #tpu.memory_space<vmem>>, vector<1000x1000xf32>
    %reduce_max3A = arith.constant dense<0xFF800000> : vector<1000xf32>
    %reduce_max3A_2 = vector.multi_reduction <maximumf>, %get3A_1, %reduce_max3A [1] : vector<1000x1000xf32> to vector<1000xf32>
    %broadcast_in_dim3A = vector.shape_cast %reduce_max3A_2 : vector<1000xf32> to vector<1000x1xf32>
    %sub3A = vector.broadcast %broadcast_in_dim3A : vector<1000x1xf32> to vector<1000x1000xf32>
    %sub3A_3 = arith.subf %get3A_1, %sub3A : vector<1000x1000xf32>
    %exp3A = math.exp %sub3A_3 : vector<1000x1000xf32>
    %reduce_sum3A = arith.constant dense<0.000000e+00> : vector<1000xf32>
    %reduce_sum3A_4 = vector.multi_reduction <add>, %exp3A, %reduce_sum3A [1] : vector<1000x1000xf32> to vector<1000xf32>
    %broadcast_in_dim3A_5 = vector.shape_cast %reduce_sum3A_4 : vector<1000xf32> to vector<1000x1xf32>
    %log3A = math.log %broadcast_in_dim3A_5 : vector<1000x1xf32>
    %add3A = arith.addf %broadcast_in_dim3A, %log3A : vector<1000x1xf32>
    %swap3A = arith.constant 0 : index
    %swap3A_6 = arith.constant 0 : index
    %swap3A_7 = vector.load %arg1[%swap3A, %swap3A_6] : memref<1000x1xf32, #tpu.memory_space<vmem>>, vector<1000x1xf32>
    tpu.vector_store %arg1[%swap3A, %swap3A_6], %add3A {strides = array<i32>} : memref<1000x1xf32, #tpu.memory_space<vmem>>, vector<1000x1xf32>,
    %broadcast_in_dim3A_8 = arith.constant 0.000000e+00 : f32
    %broadcast_in_dim3A_9 = vector.broadcast %broadcast_in_dim3A_8 : f32 to vector<1000x24xf32>
    %concatenate3A = tpu.concatenate %get3A_1, %broadcast_in_dim3A_9 in 1 : vector<1000x1000xf32>, vector<1000x24xf32> -> vector<1000x1024xf32>
    %swap3A_10 = arith.constant 0 : index
    %swap3A_11 = arith.constant 0 : index
    %swap3A_12 = vector.load %arg2[%swap3A_10, %swap3A_11] : memref<1000x1024xf32, #tpu.memory_space<vmem>>, vector<1000x1024xf32>
    tpu.vector_store %arg2[%swap3A_10, %swap3A_11], %concatenate3A {strides = array<i32>} : memref<1000x1024xf32, #tpu.memory_space<vmem>>, vector<1000x1024xf32>,
    return
  }
}

</mosaic_0001>

<sc_bundles>
// kernel: kernel.4.cloned.1.call-start
scs
__scs_entry_jumppad:
0x0: {  	(pc) =	sbr.rel $0x88, $3  }
0x1: {  	(tag) =	ssettag $0x0;
	lr =	simm.s32 $0x1  }
0x2: {  	[smem:$0x3F9E] =	sst lr;
	_ =	strace $0xD0000000  }
0x3: {  	_ = 	snop  }
0x4: {  	_ = 	snop  }
0x5: {  	_ = 	snop  }
0x6: {  	_ = 	snop  }
0x7: {  	_ = 	snop  }
__scs_overlays_trampoline_lowered:
0x8: {  	[smem:$0x3FAD] =	sst s0  }
0x9: {  	[smem:$0x3FAE] =	sst s1  }
0xa: {  	[smem:$0x3FAF] =	sst s2  }
0xb: {  	[smem:$0x3FB0] =	sst s3  }
0xc: {  	[smem:$0x3FB1] =	sst s4  }
0xd: {  	[smem:$0x3FB2] =	sst s5  }
0xe: {  	[smem:$0x3FB3] =	sst s6  }
0xf: {  	[smem:$0x3FB4] =	sst s7  }
0x10: {  	[smem:$0x3FB5] =	sst s8  }
0x11: {  	[smem:$0x3FB6] =	sst s9;
	s0 =	simm.s32 @!p0 $0x0  }
0x12: {  	s1 =	sld [smem:$0x3F9C];
	s0 =	simm.s32 @p0 $0x1  }
0x13: {  	[smem:$0x3FB7] =	sst s0;
	s0 =	simm.s32 @!p1 $0x0  }
0x14: {  	s2 =	sld [smem:$0x3F9B];
	s0 =	simm.s32 @p1 $0x1  }
0x15: {  	[smem:$0x3FB8] =	sst s0;
	s0 =	simm.s32 @!p2 $0x0  }
0x16: {  	s3 =	sld [smem:$0x3FDB];
	s0 =	simm.s32 @p2 $0x1  }
0x17: {  	s4 =	simm.s32 $0x1BF5;
	[smem:$0x3FBA] =	sst s0  }
0x18: {  	s0 =	sld [smem:$0x3F9D];
	_ =	swait.ge [sflag:s4], $0x0  }
0x19: {  	s7 =	sld [smem:$0x3F9E]  }
0x1a: {  	s8 =	sadd.s32 $0xFFFFE003, lr  }
0x1b: {  	s9 =	sadd.s32 $0xFFFFFEF7, lr;
	s5 =	simm.s32 $0xFFFFFFFF;
	p2 =	slt.u32 s8, $0xFFFFF086  }
0x1c: {  	p1 =	slt.u32 s9, $0xF7A;
	s5 =	simm.s32 @!p2 $0x0  }
0x1d: {  	s5 =	simm.s32 @p1 $0x1;
	p0 =	seq.s32 s7, s2  }
0x1e: {  	s7 =	smul.u32 @!p0 $0xF7A, s2;
	p2 =	seq.s32 @!p0 s5, $0x0  }
0x1f: {  	s9 =	smul.u32 $0xF7A, s1;
	s8 =	simm.s32 @!p0 $0x1BF5;
	p2 =	por !p2, p0  }
0x20: {  	[sflag:s8] =	ssyncset.s32 @!p0 $0xFFFFF086;
	s6 =	sadd.s32 @!p0 s3, s7;
	s7 =	simm.s32 @!p0 $0x108  }
0x21: {  	s3 =	sadd.s32 s3, s9;
	s6 =	sadd.s32 @!p0 $0x88, s6;
	s7 =	simm.s32 @p2 $0x1082  }
0x22: {  	[simem:s7], [sflag:s8] =	dma.local @!p0 [hbm:s6], $0xF7A  }
0x23: {  	s9 =	sor.u32 $0xD0000000, s2;
	s6 =	simm.s32 $0x108;
	_ =	swait.ge @!p0 [sflag:s8], $0x0  }
0x24: {  	s3 =	sadd.s32 $0x88, s3;
	s6 =	simm.s32 @!p1 $0x1082;
	[sflag:s4] =	ssyncset.s32 $0xFFFFF086  }
0x25: {  	[simem:s6], [sflag:s4] =	dma.local [hbm:s3], $0xF7A  }
0x26: {  	[smem:$0x3F9E] =	sst s1;
	(tag) =	ssettag s2;
	_ =	strace s9  }
0x27: {  	s1 =	sld [smem:$0x3FAE]  }
0x28: {  	s2 =	sld [smem:$0x3FAF]  }
0x29: {  	s4 =	sld [smem:$0x3FB1]  }
0x2a: {  	p0 =	seq.s32 s5, $0x0;
	s5 =	sld [smem:$0x3FB2]  }
0x2b: {  	s6 =	sld [smem:$0x3FB3]  }
0x2c: {  	s7 =	sld [smem:$0x3FB4]  }
0x2d: {  	s3 =	simm.s32 $0x108;
	s8 =	sld [smem:$0x3FB5]  }
0x2e: {  	s3 =	simm.s32 @!p0 $0x1082;
	s9 =	sld [smem:$0x3FB6]  }
0x2f: {  	lr =	sadd.s32 s0, s3;
	s0 =	sld [smem:$0x3FAD]  }
0x30: {  	s3 =	sld [smem:$0x3FB0]  }
0x31: {  	[smem:$0x3FB9] =	sst s10  }
0x32: {  	s10 =	sld [smem:$0x3FB7];
	_ =	sdelay $0x3  }
0x33: {  	p0 =	seq.s32 s10, $0x1;
	s10 =	sld [smem:$0x3FB9];
	_ =	sdelay $0x3  }
0x34: {  	[smem:$0x3FB9] =	sst s10  }
0x35: {  	s10 =	sld [smem:$0x3FB8];
	_ =	sdelay $0x3  }
0x36: {  	p1 =	seq.s32 s10, $0x1;
	s10 =	sld [smem:$0x3FB9];
	_ =	sdelay $0x3  }
0x37: {  	[smem:$0x3FB9] =	sst s10  }
0x38: {  	s10 =	sld [smem:$0x3FBA]  }
0x39: {  	_ = 	snop;
	(pc) =	sbr.ind lr, $3  }
0x3a: {  	_ = 	snop  }
0x3b: {  	_ = 	snop  }
0x3c: {  	p2 =	seq.s32 s10, $0x1;
	s10 =	sld [smem:$0x3FB9]  }
0x3d: {  	_ =	shalt  }
0x3e: {  	_ =	shalt  }
0x3f: {  	_ =	shalt  }
0x40: {  	_ =	shalt  }
0x41: {  	_ =	shalt  }
0x42: {  	_ =	shalt  }
0x43: {  	_ =	shalt  }
0x44: {  	_ =	shalt  }
0x45: {  	_ =	shalt  }
0x46: {  	_ =	shalt  }
0x47: {  	_ =	shalt  }
0x48: {  	_ =	shalt  }
0x49: {  	_ =	shalt  }
0x4a: {  	_ =	shalt  }
0x4b: {  	_ =	shalt  }
0x4c: {  	_ =	shalt  }
0x4d: {  	_ =	shalt  }
0x4e: {  	_ =	shalt  }
0x4f: {  	_ =	shalt  }
0x50: {  	_ =	shalt  }
0x51: {  	_ =	shalt  }
0x52: {  	_ =	shalt  }
0x53: {  	_ =	shalt  }
0x54: {  	_ =	shalt  }
0x55: {  	_ =	shalt  }
0x56: {  	_ =	shalt  }
0x57: {  	_ =	shalt  }
0x58: {  	_ =	shalt  }
0x59: {  	_ =	shalt  }
0x5a: {  	_ =	shalt  }
0x5b: {  	_ =	shalt  }
0x5c: {  	_ =	shalt  }
0x5d: {  	_ =	shalt  }
0x5e: {  	_ =	shalt  }
0x5f: {  	_ =	shalt  }
0x60: {  	_ =	shalt  }
0x61: {  	_ =	shalt  }
0x62: {  	_ =	shalt  }
0x63: {  	_ =	shalt  }
0x64: {  	_ =	shalt  }
0x65: {  	_ =	shalt  }
0x66: {  	_ =	shalt  }
0x67: {  	_ =	shalt  }
0x68: {  	_ =	shalt  }
0x69: {  	_ =	shalt  }
0x6a: {  	_ =	shalt  }
0x6b: {  	_ =	shalt  }
0x6c: {  	_ =	shalt  }
0x6d: {  	_ =	shalt  }
0x6e: {  	_ =	shalt  }
0x6f: {  	_ =	shalt  }
0x70: {  	_ =	shalt  }
0x71: {  	_ =	shalt  }
0x72: {  	_ =	shalt  }
0x73: {  	_ =	shalt  }
0x74: {  	_ =	shalt  }
0x75: {  	_ =	shalt  }
0x76: {  	_ =	shalt  }
0x77: {  	_ =	shalt  }
0x78: {  	_ =	shalt  }
0x79: {  	_ =	shalt  }
0x7a: {  	_ =	shalt  }
0x7b: {  	_ =	shalt  }
0x7c: {  	_ =	shalt  }
0x7d: {  	_ =	shalt  }
0x7e: {  	_ =	shalt  }
0x7f: {  	_ =	shalt  }
0x80: {  	_ =	shalt  }
0x81: {  	_ =	shalt  }
0x82: {  	_ =	shalt  }
0x83: {  	_ =	shalt  }
0x84: {  	_ =	shalt  }
0x85: {  	_ =	shalt  }
0x86: {  	_ =	shalt  }
0x87: {  	_ =	shalt  }
.Lfunc_end0:
.L_simem_size_0:
called_computation.1_lowered:
.L_overlay_start_0:
0x88: {  	s2 =	sld [smem:$0x3FD9]  }
0x89: {  	s3 =	sld [smem:$0x3FFE];
	_ =	sdelay $0x1  }
0x8a: {  	s1 =	srdreg.scid  }
0x8b: {  	s0 =	sand.u32 $0x1, s1  }
0x8c: {  	s14 =	sshll.u32 s0, $0xA;
	s2 =	sadd.s32 s3, s2  }
0x8d: {  	s2 =	sadd.s32 s2, s14  }
0x8e: {  	[smem:$0x3FC5] =	sst s2  }
0x8f: {  	_ = 	snop  }
0x90: {  	s2 =	sld [smem:$0x3FD0];
	_ =	sdelay $0x2  }
0x91: {  	s15 =	simm.s32 $0xA;
	s4 =	simm.s32 $0x10  }
0x92: {  	[smem:s4], [sflag:s15] =	dma.local [hbm:s2], $0x1  }
0x93: {  	_ =	swait.eq [sflag:s15], $0x1  }
0x94: {  	[sflag:s15] =	ssyncset.done $0x0  }
0x95: {  	[sflag:s15] =	ssyncadd.s32 $0xFFFFFFFF  }
0x96: {  	s16 =	sld [smem:$0x10];
	(tm) =	ssettm $0x1  }
0x97: {  	s17 =	sld [smem:$0x3FFB];
	_ =	sdelay $0x3  }
0x98: {  	_ =	strace s17  }
0x99: {  	s3 =	sld [smem:$0x3FFC];
	_ =	sdelay $0x3  }
0x9a: {  	_ =	strace s3  }
0x9b: {  	s3 =	sld [smem:$0x3FFD];
	_ =	sdelay $0x3  }
0x9c: {  	_ =	strace s3  }
0x9d: {  	_ =	strace $0x8FFFFFFF  }
0x9e: {  	s18 =	sld [smem:$0x3FDB];
	_ =	sdelay $0x1  }
0x9f: {  	s19 =	simm.s32 $_scs_section_size  }
0xa0: {  	s5 =	simm.s32 $_size__tile_overlayer_lowered;
	s6 =	simm.s32 $_tile_overlayer_lowered  }
0xa1: {  	s22 =	simm.s32 $0x1BFF;
	s21 =	sshll.u32 s6, $0x1;
	s3 =	sadd.s32 s19, s18  }
0xa2: {  	s7 =	simm.s32 $0x0;
	s20 =	sshll.u32 s5, $0x1;
	s5 =	sadd.s32 s21, s3  }
0xa3: {  	[timem:s7], [sflag:s22] =	dma.local [hbm:s5], s20  }
0xa4: {  	_ =	swait.ge [sflag:s22], s20  }
0xa5: {  	s4 =	ssub.s32 $0x0, s20;
	[sflag:s22] =	ssyncset.done $0x0  }
0xa6: {  	[sflag:s22] =	ssyncadd.s32 s4;
	_ =	sdelay $0x1  }
0xa7: {  	s23 =	simm.s32 $0x1B8B  }
0xa8: {  	_ =	swait.ge [sflag:s23], $0x1  }
0xa9: {  	[sflag:s23] =	ssyncset.done $0x0  }
0xaa: {  	s25 =	simm.s32 $0x1B8E;
	s24 =	sld [smem:$0x3FFE];
	[sflag:s23] =	ssyncadd.s32 $0xFFFFFFFF  }
0xab: {  	s26 =	simm.s32 $execute0_lowered;
	[smem:$0x3FD2] =	sst s25  }
0xac: {  	s5 =	sshll.u32 s26, $0x1;
	_ =	strace $0x80000046;
	[dreg:$0x1] =	wrdreg $0xFFFFFFFF  }
0xad: {  	s28 =	simm.s32 $_size_execute0_lowered;
	s3 =	sadd.s32 s3, s5;
	[dreg:$0x0] =	wrdreg $0x0  }
0xae: {  	s5 =	sshll.u32 s28, $0x1;
	[dreg:$0x2] =	wrdreg s3  }
0xaf: {  	[dreg:$0x3] =	wrdreg s5  }
0xb0: {  	[dreg:$0x4] =	wrdreg $0xC0  }
0xb1: {  	_ =	task [dreg:s7], $0x5FFFF  }
0xb2: {  	[dreg:$0x1] =	wrdreg $0xFFFFFFFF  }
0xb3: {  	[dreg:$0x0] =	wrdreg $0x60  }
0xb4: {  	[dreg:$0x2] =	wrdreg s16  }
0xb5: {  	[dreg:$0x3] =	wrdreg s24  }
0xb6: {  	[dreg:$0x4] =	wrdreg $0x9  }
0xb7: {  	_ =	task.clear_ibuf [dreg:s7], $0x5FFFF;
	_ =	strace $0x90000046  }
0xb8: {  	s29 =	simm.s32 $0x9;
	_ =	strace $0x80000048  }
0xb9: {  	_ =	swait.ge [sflag:s29], $0x1  }
0xba: {  	[sflag:s29] =	ssyncadd.s32 $0xFFFFFFFF  }
0xbb: {  	_ =	strace $0x90000048  }
0xbc: {  	_ =	sfence  }
0xbd: {  	s30 =	sld [smem:$0x0];
	_ =	sdelay $0x2  }
0xbe: {  	s31 =	sshll.u32 s1, $0xD;
	s1 =	sshrl.u32 s1, $0x2  }
0xbf: {  	s3 =	sand.u32 $0x4000, s31;
	s1 =	sadd.s32 s1, s30  }
0xc0: {  	s0 =	sor.u32 s3, s0;
	s1 =	sshll.u32 s1, $0x11  }
0xc1: {  	s0 =	sor.u32 s1, s0  }
0xc2: {  	s0 =	sadd.s32 $0x8F2B, s0  }
0xc3: {  	[sflag:s0] =	ssyncadd.remote.s32 $0x1  }
0xc4: {  	_ =	sfence.sel $0xFFFF  }
0xc5: {  	[dreg:$0x0] =	wrdreg $0xFFFFFFFF;
	(pc) =	sbr.abs _section_cstart, $3  }
0xc6: {  	[dreg:$0x1] =	wrdreg $0xFFFFFFFF  }
0xc7: {  	_ =	task.clear_ibuf [dreg:s7], $0x2FFFF;
	_ =	strace $0x9FFFFFFF  }
0xc8: {  	(tm) =	ssettm $0x7FFFFFFF  }
0xc9: {  	_ =	shalt  }
tec
execute0_lowered:
.L_overlay_start_1:
0x0: {  	(tag) =	ssettag $0x1  }
0x1: {  	s0 =	srdreg.scid  }
0x2: {  	s9 =	stileid.u32;
	s2 =	rddreg [dreg:$0x0]  }
0x3: {  	s4 =	rddreg [dreg:$0x1];
	s3 =	simm.s32 $0x0;
	s12 =	simm.s32 $0x12900  }
0x4: {  	s13 =	simm.s32 $0x13100;
	s15 =	simm.s32 $0x13900;
	s17 =	simm.s32 $0x14100  }
0x5: {  	s18 =	simm.s32 $0x14900;
	[smem:$0x7FF] =	sst s3;
	s6 =	sadd.s32 $0x3E00, s4  }
0x6: {  	s19 =	simm.s32 $0x15100;
	_ =	strace $0x80000047;
	[dreg:$0x13] =	wrdreg s6  }
0x7: {  	s20 =	simm.s32 $0x15900;
	s21 =	simm.s32 $0x16100;
	[dreg:$0x6] =	wrdreg s12  }
0x8: {  	s22 =	simm.s32 $0x16900;
	s28 =	simm.s32 $0x4;
	[dreg:$0x7] =	wrdreg s13  }
0x9: {  	s29 =	simm.s32 $0x2;
	s30 =	simm.s32 $0x5;
	[dreg:$0x8] =	wrdreg s15  }
0xa: {  	s31 =	simm.s32 $0x3;
	s0 =	sand.u32 $0x1, s0;
	[dreg:$0x9] =	wrdreg s17  }
0xb: {  	s1 =	sshll.u32 s9, $0x1;
	s10 =	sadd.s32 $0x4200, s4;
	[dreg:$0xa] =	wrdreg s18  }
0xc: {  	s24 =	smul.u32 $0x64000, s9;
	s9 =	sadd.s32 $0x300, s2;
	[dreg:$0xb] =	wrdreg s19  }
0xd: {  	s1 =	sor.u32 s0, s1;
	s23 =	ssub.s32 $0x2, s0;
	[dreg:$0xc] =	wrdreg s20  }
0xe: {  	s0 =	smul.u32 $0x32000, s0;
	s17 =	simm.s32 $0x1100;
	[dreg:$0xd] =	wrdreg s21  }
0xf: {  	[dreg:$0xe] =	wrdreg s22;
	s12 =	simm.s32 $0x3900;
	s13 =	simm.s32 $0x4100  }
0x10: {  	s18 =	simm.s32 $0x5100;
	s19 =	simm.s32 $0x5900;
	s20 =	simm.s32 $0x6100  }
0x11: {  	v2 =	vlaneseq.u32;
	vm0 =	vmmov $0xffff;
	s21 =	simm.s32 $0x6900;
	s22 =	simm.s32 $0x7100;
	s15 =	simm.s32 $0x9100  }
0x12: {  	vm1 =	vcmask $0x300;
	v3 =	vimm.s32 $0x2380;
	v4 =	vimm.s32 $0x6380;
	s5 =	smul.u32 $0x640, s1;
	s7 =	sshll.u32 s1, $0x1;
	s8 =	sshrl.u32 s23, $0x1  }
0x13: {  	vm2 =	vcmask $0x704;
	v1 =	vshrl.u32 v2, $0x3;
	v0 =	vand.u32 $0x7, v2;
	s1 =	smul.u32 $0x190000, s1;
	s26 =	sadd.s32 s24, s10;
	s24 =	simm.s32 $0x17900  }
0x14: {  	v3 =	vsel vm1, $0x0, v3;
	v4 =	vsel vm1, $0x4000, v4;
	vm1 =	vcmask $0xB08;
	s6 =	ssub.s32 s23, s8;
	s8 =	sadd.s32 $0x200, s2;
	s0 =	sadd.s32 s0, s26  }
0x15: {  	v2 =	vor.u32 $0x8, v2;
	v3 =	vsel vm2, $0x80, v3;
	v4 =	vsel vm2, $0x4080, v4;
	s23 =	simm.s32 $0x17100;
	[dreg:$0x10] =	wrdreg s24;
	s26 =	simm.s32 $0x18900  }
0x16: {  	vm2 =	vcmask $0xF0C;
	v3 =	vsel vm1, $0x100, v3;
	v4 =	vsel vm1, $0x4100, v4;
	s24 =	simm.s32 $0x8100;
	s5 =	sshrl.u32 s5, $0x3;
	[dreg:$0x3] =	wrdreg s0  }
0x17: {  	vm1 =	vcmask $0x1310;
	v3 =	vsel vm2, $0x180, v3;
	v4 =	vsel vm2, $0x4180, v4;
	s1 =	sshrl.u32 s1, $0x3;
	s16 =	smax.u32 s6, $0x1;
	[dreg:$0xf] =	wrdreg s23  }
0x18: {  	vm2 =	vcmask $0x1714;
	s6 =	simm.s32 $0x2100;
	[dreg:$0x12] =	wrdreg s26;
	v3 =	vsel vm1, $0x200, v3;
	v4 =	vsel vm1, $0x4200, v4;
	s23 =	simm.s32 $0x7900  }
0x19: {  	vm1 =	vcmask $0x1B18;
	s26 =	simm.s32 $0x1;
	s5 =	sadd.s32 s5, s4;
	s4 =	sadd.s32 s7, s4;
	v3 =	vsel vm2, $0x280, v3;
	v4 =	vsel vm2, $0x4280, v4  }
0x1a: {  	s1 =	sadd.s32 s10, s1;
	s10 =	simm.s32 $0x12100;
	[dreg:$0x19] =	wrdreg s16;
	vm2 =	vcmask $0x1F1C;
	v3 =	vsel vm1, $0x300, v3;
	v4 =	vsel vm1, $0x4300, v4  }
0x1b: {  	s7 =	sadd.s32 $0x100, s2;
	s25 =	sadd.s32 $0xA00, s5;
	[dreg:$0x5] =	wrdreg s10;
	vm1 =	vcmask $0x2320;
	v3 =	vsel vm2, $0x380, v3;
	v4 =	vsel vm2, $0x4380, v4  }
0x1c: {  	s16 =	simm.s32 $0xD00;
	s5 =	sadd.s32 $0x2400, s5;
	[dreg:$0x14] =	wrdreg s25;
	vm2 =	vcmask $0x2724;
	v3 =	vsel vm1, $0x2000, v3;
	v4 =	vsel vm1, $0x6000, v4  }
0x1d: {  	s11 =	sadd.s32 $0x30000, s1;
	s1 =	sadd.s32 $0x31000, s1;
	[dreg:$0x15] =	wrdreg s5;
	vm1 =	vcmask $0x2B28;
	v3 =	vsel vm2, $0x2080, v3;
	v4 =	vsel vm2, $0x6080, v4  }
0x1e: {  	s14 =	sadd.s32 $0x4000, s4;
	s10 =	simm.s32 $0x2900;
	[dreg:$0x16] =	wrdreg s11;
	vm2 =	vcmask $0x2F2C;
	v3 =	vsel vm1, $0x2100, v3;
	v4 =	vsel vm1, $0x6100, v4  }
0x1f: {  	s4 =	simm.s32 $0x0;
	s5 =	simm.s32 $0x11900;
	[dreg:$0x17] =	wrdreg s1;
	vm1 =	vcmask $0x3330;
	v3 =	vsel vm2, $0x2180, v3;
	v4 =	vsel vm2, $0x6180, v4  }
0x20: {  	[dreg:$0x18] =	wrdreg s14;
	s1 =	simm.s32 $0x7;
	s11 =	simm.s32 $0x3100;
	vm2 =	vcmask $0x3734;
	v3 =	vsel vm1, $0x2200, v3;
	v4 =	vsel vm1, $0x6200, v4  }
0x21: {  	s25 =	simm.s32 $0x18100;
	s14 =	simm.s32 $0x4900;
	[dreg:$0x4] =	wrdreg s5;
	vm1 =	vcmask $0x3B38;
	v3 =	vsel vm2, $0x2280, v3;
	v4 =	vsel vm2, $0x6280, v4  }
0x22: {  	v1 =	vmul.u32 $0x8, v1;
	s5 =	simm.s32 $0x1900;
	[dreg:$0x11] =	wrdreg s25;
	s25 =	simm.s32 $0x11100;
	v3 =	vsel vm1, $0x2300, v3;
	v4 =	vsel vm1, $0x6300, v4  }
.LBB2_1:
0x23: {  	[dreg:$0x1a] =	wrdreg s4  }
0x24: {  	s0 =	rddreg [dreg:$0x14]  }
0x25: {  	[tilespmem:s3], [sflag:$0x7] =	stream.linear.gather [hbm4b:s0+s3], $0x640, $0x38;
	[tilespmem:$0x19180] =	vst v63  }
0x26: {  	_ =	swait.ge [sflag:s1], $0x640  }
0x27: {  	[sflag:s1] =	ssyncset.done $0x0  }
0x28: {  	s4 =	simm.s32 $0x680;
	s0 =	rddreg [dreg:$0x15];
	[sflag:s1] =	ssyncadd.s32 $0xFFFFF9C0  }
0x29: {  	[tilespmem:s4], [sflag:$0x7] =	stream.linear.gather [hbm4b:s0+s3], $0x640, $0x38;
	[tilespmem:$0x19180] =	vst v63  }
0x2a: {  	_ =	swait.ge [sflag:s1], $0x640  }
0x2b: {  	[sflag:s1] =	ssyncset.done $0x0  }
0x2c: {  	s4 =	rddreg [dreg:$0x13];
	[sflag:s1] =	ssyncadd.s32 $0xFFFFF9C0  }
0x2d: {  	[tilespmem:s16], [sflag:$0x7] =	stream.linear.gather [hbm4b:s4+s3], $0x400, $0x38;
	[tilespmem:$0x19180] =	vst v63  }
0x2e: {  	_ =	swait.ge [sflag:s1], $0x400  }
0x2f: {  	[sflag:s1] =	ssyncset.done $0x0  }
0x30: {  	[sflag:s1] =	ssyncadd.s32 $0xFFFFFC00  }
0x31: {  	v5 =	vld [tilespmem:$0x0];
	_ =	sdelay $0x4  }
0x32: {  	v6 =	vshll.u32 v5, $0x3  }
0x33: {  	v5 =	vand.u32 $0x7, v5;
	v6 =	vand.u32 $0xFFFFFFC0, v6  }
0x34: {  	v5 =	vor.u32 v5, v6  }
0x35: {  	v6 =	vperm.xlane v5, v0;
	_ =	sdelay $0x1  }
0x36: {  	v6 =	vadd.s32 v1, v6;
	_ =	sdelay $0x4  }
0x37: {  	[tilespmem:s17], [sflag:$0x1] =	stream.indirect_vreg.gather [hbm4b:s2+s3], $0x80, v6, vm0, $0xb8;
	[tilespmem:$0x19180] =	vst v63  }
0x38: {  	v5 =	vperm.xlane v5, v2  }
0x39: {  	[tilespmem:s5], [sflag:$0x1] =	stream.indirect_vreg.gather [hbm4b:s7+s3], $0x80, v6, vm0, $0xb8;
	[tilespmem:$0x19180] =	vst v63  }
0x3a: {  	v5 =	vadd.s32 v1, v5  }
0x3b: {  	[tilespmem:s6], [sflag:$0x1] =	stream.indirect_vreg.gather [hbm4b:s8+s3], $0x80, v6, vm0, $0xb8;
	[tilespmem:$0x19180] =	vst v63  }
0x3c: {  	_ = 	snop  }
0x3d: {  	[tilespmem:s10], [sflag:$0x1] =	stream.indirect_vreg.gather [hbm4b:s9+s3], $0x80, v6, vm0, $0xb8;
	[tilespmem:$0x19180] =	vst v63  }
0x3e: {  	_ = 	snop  }
0x3f: {  	[tilespmem:s11], [sflag:$0x1] =	stream.indirect_vreg.gather [hbm4b:s2+s3], $0x80, v5, vm0, $0xb8;
	[tilespmem:$0x19180] =	vst v63  }
0x40: {  	_ = 	snop  }
0x41: {  	[tilespmem:s12], [sflag:$0x1] =	stream.indirect_vreg.gather [hbm4b:s7+s3], $0x80, v5, vm0, $0xb8;
	[tilespmem:$0x19180] =	vst v63  }
0x42: {  	_ = 	snop  }
0x43: {  	[tilespmem:s13], [sflag:$0x1] =	stream.indirect_vreg.gather [hbm4b:s8+s3], $0x80, v5, vm0, $0xb8;
	[tilespmem:$0x19180] =	vst v63  }
0x44: {  	_ = 	snop  }
0x45: {  	[tilespmem:s14], [sflag:$0x1] =	stream.indirect_vreg.gather [hbm4b:s9+s3], $0x80, v5, vm0, $0xb8;
	[tilespmem:$0x19180] =	vst v63  }
0x46: {  	v5 =	vld [tilespmem:$0x10];
	_ =	sdelay $0x4  }
0x47: {  	v6 =	vshll.u32 v5, $0x3  }
0x48: {  	v5 =	vand.u32 $0x7, v5;
	v6 =	vand.u32 $0xFFFFFFC0, v6  }
0x49: {  	v5 =	vor.u32 v5, v6  }
0x4a: {  	v6 =	vperm.xlane v5, v0;
	_ =	sdelay $0x1  }
0x4b: {  	v6 =	vadd.s32 v1, v6;
	_ =	sdelay $0x4  }
0x4c: {  	[tilespmem:s18], [sflag:$0x1] =	stream.indirect_vreg.gather [hbm4b:s2+s3], $0x80, v6, vm0, $0xb8;
	[tilespmem:$0x19180] =	vst v63  }
0x4d: {  	v5 =	vperm.xlane v5, v2  }
0x4e: {  	[tilespmem:s19], [sflag:$0x1] =	stream.indirect_vreg.gather [hbm4b:s7+s3], $0x80, v6, vm0, $0xb8;
	[tilespmem:$0x19180] =	vst v63  }
0x4f: {  	v5 =	vadd.s32 v1, v5  }
0x50: {  	[tilespmem:s20], [sflag:$0x1] =	stream.indirect_vreg.gather [hbm4b:s8+s3], $0x80, v6, vm0, $0xb8;
	[tilespmem:$0x19180] =	vst v63  }
0x51: {  	_ = 	snop  }
0x52: {  	[tilespmem:s21], [sflag:$0x1] =	stream.indirect_vreg.gather [hbm4b:s9+s3], $0x80, v6, vm0, $0xb8;
	[tilespmem:$0x19180] =	vst v63  }
0x53: {  	_ = 	snop  }
0x54: {  	[tilespmem:s22], [sflag:$0x1] =	stream.indirect_vreg.gather [hbm4b:s2+s3], $0x80, v5, vm0, $0xb8;
	[tilespmem:$0x19180] =	vst v63  }
0x55: {  	_ = 	snop  }
0x56: {  	[tilespmem:s23], [sflag:$0x1] =	stream.indirect_vreg.gather [hbm4b:s7+s3], $0x80, v5, vm0, $0xb8;
	[tilespmem:$0x19180] =	vst v63  }
0x57: {  	_ = 	snop  }
0x58: {  	[tilespmem:s24], [sflag:$0x1] =	stream.indirect_vreg.gather [hbm4b:s8+s3], $0x80, v5, vm0, $0xb8;
	[tilespmem:$0x19180] =	vst v63  }
0x59: {  	s6 =	simm.s32 $0x8900  }
0x5a: {  	[tilespmem:s6], [sflag:$0x1] =	stream.indirect_vreg.gather [hbm4b:s9+s3], $0x80, v5, vm0, $0xb8;
	[tilespmem:$0x19180] =	vst v63  }
0x5b: {  	v5 =	vld [tilespmem:$0x20];
	_ =	sdelay $0x4  }
0x5c: {  	v6 =	vshll.u32 v5, $0x3  }
0x5d: {  	v5 =	vand.u32 $0x7, v5;
	v6 =	vand.u32 $0xFFFFFFC0, v6  }
0x5e: {  	v5 =	vor.u32 v5, v6  }
0x5f: {  	v6 =	vperm.xlane v5, v0;
	_ =	sdelay $0x1  }
0x60: {  	v6 =	vadd.s32 v1, v6;
	_ =	sdelay $0x4  }
0x61: {  	[tilespmem:s15], [sflag:$0x2] =	stream.indirect_vreg.gather [hbm4b:s2+s3], $0x80, v6, vm0, $0xb8;
	[tilespmem:$0x19180] =	vst v63  }
0x62: {  	s10 =	simm.s32 $0x9900;
	v5 =	vperm.xlane v5, v2  }
0x63: {  	[tilespmem:s10], [sflag:$0x2] =	stream.indirect_vreg.gather [hbm4b:s7+s3], $0x80, v6, vm0, $0xb8;
	[tilespmem:$0x19180] =	vst v63  }
0x64: {  	s11 =	simm.s32 $0xA100;
	v5 =	vadd.s32 v1, v5  }
0x65: {  	[tilespmem:s11], [sflag:$0x2] =	stream.indirect_vreg.gather [hbm4b:s8+s3], $0x80, v6, vm0, $0xb8;
	[tilespmem:$0x19180] =	vst v63  }
0x66: {  	s12 =	simm.s32 $0xA900  }
0x67: {  	[tilespmem:s12], [sflag:$0x2] =	stream.indirect_vreg.gather [hbm4b:s9+s3], $0x80, v6, vm0, $0xb8;
	[tilespmem:$0x19180] =	vst v63  }
0x68: {  	s13 =	simm.s32 $0xB100  }
0x69: {  	[tilespmem:s13], [sflag:$0x2] =	stream.indirect_vreg.gather [hbm4b:s2+s3], $0x80, v5, vm0, $0xb8;
	[tilespmem:$0x19180] =	vst v63  }
0x6a: {  	s14 =	simm.s32 $0xB900  }
0x6b: {  	[tilespmem:s14], [sflag:$0x2] =	stream.indirect_vreg.gather [hbm4b:s7+s3], $0x80, v5, vm0, $0xb8;
	[tilespmem:$0x19180] =	vst v63  }
0x6c: {  	s18 =	simm.s32 $0xC100  }
0x6d: {  	[tilespmem:s18], [sflag:$0x2] =	stream.indirect_vreg.gather [hbm4b:s8+s3], $0x80, v5, vm0, $0xb8;
	[tilespmem:$0x19180] =	vst v63  }
0x6e: {  	s19 =	simm.s32 $0xC900  }
0x6f: {  	[tilespmem:s19], [sflag:$0x2] =	stream.indirect_vreg.gather [hbm4b:s9+s3], $0x80, v5, vm0, $0xb8;
	[tilespmem:$0x19180] =	vst v63  }
0x70: {  	v5 =	vld [tilespmem:$0x30];
	_ =	sdelay $0x4  }
0x71: {  	v6 =	vshll.u32 v5, $0x3  }
0x72: {  	v5 =	vand.u32 $0x7, v5;
	v6 =	vand.u32 $0xFFFFFFC0, v6  }
0x73: {  	v5 =	vor.u32 v5, v6  }
0x74: {  	v6 =	vperm.xlane v5, v0;
	_ =	sdelay $0x1  }
0x75: {  	v6 =	vadd.s32 v1, v6;
	_ =	sdelay $0x3  }
0x76: {  	s20 =	simm.s32 $0xD100  }
0x77: {  	[tilespmem:s20], [sflag:$0x2] =	stream.indirect_vreg.gather [hbm4b:s2+s3], $0x80, v6, vm0, $0xb8;
	[tilespmem:$0x19180] =	vst v63  }
0x78: {  	s21 =	simm.s32 $0xD900;
	v5 =	vperm.xlane v5, v2  }
0x79: {  	[tilespmem:s21], [sflag:$0x2] =	stream.indirect_vreg.gather [hbm4b:s7+s3], $0x80, v6, vm0, $0xb8;
	[tilespmem:$0x19180] =	vst v63  }
0x7a: {  	s0 =	simm.s32 $0x6B0;
	s4 =	simm.s32 $0x0;
	s22 =	simm.s32 $0xE100;
	v5 =	vadd.s32 v1, v5  }
0x7b: {  	[tilespmem:s22], [sflag:$0x2] =	stream.indirect_vreg.gather [hbm4b:s8+s3], $0x80, v6, vm0, $0xb8;
	[tilespmem:$0x19180] =	vst v63  }
0x7c: {  	s1 =	simm.s32 $0x50;
	s23 =	simm.s32 $0xE900;
	s24 =	simm.s32 $0xF100  }
0x7d: {  	[tilespmem:s23], [sflag:$0x2] =	stream.indirect_vreg.gather [hbm4b:s9+s3], $0x80, v6, vm0, $0xb8;
	[tilespmem:$0x19180] =	vst v63  }
0x7e: {  	s10 =	simm.s32 $0x10100;
	s11 =	simm.s32 $0x2100;
	s12 =	simm.s32 $0x10900  }
0x7f: {  	[tilespmem:s24], [sflag:$0x2] =	stream.indirect_vreg.gather [hbm4b:s2+s3], $0x80, v5, vm0, $0xb8;
	[tilespmem:$0x19180] =	vst v63  }
0x80: {  	s13 =	simm.s32 $0x3100;
	s14 =	simm.s32 $0x3900;
	s23 =	simm.s32 $0xF900  }
0x81: {  	[tilespmem:s23], [sflag:$0x2] =	stream.indirect_vreg.gather [hbm4b:s7+s3], $0x80, v5, vm0, $0xb8;
	[tilespmem:$0x19180] =	vst v63  }
0x82: {  	s18 =	simm.s32 $0x4100;
	s19 =	simm.s32 $0x8100;
	s20 =	simm.s32 $0x5100  }
0x83: {  	[tilespmem:s10], [sflag:$0x2] =	stream.indirect_vreg.gather [hbm4b:s8+s3], $0x80, v5, vm0, $0xb8;
	[tilespmem:$0x19180] =	vst v63  }
0x84: {  	s21 =	simm.s32 $0x5900;
	s22 =	simm.s32 $0x6100;
	s24 =	simm.s32 $0x7100  }
0x85: {  	[tilespmem:s12], [sflag:$0x2] =	stream.indirect_vreg.gather [hbm4b:s9+s3], $0x80, v5, vm0, $0xb8;
	v5 =	vimm.f32 $0.0e+00;
	[tilespmem:$0x19180] =	vst v63  }
.LBB2_2:
0x86: {  	p0 =	seq.s32 s4, $0x0  }
0x87: {  	s5 =	simm.s32 @!p0 $0x6  }
0x88: {  	_ =	swait.ge @!p0 [sflag:s5], $0x8000  }
0x89: {  	[sflag:s5] =	ssyncset.done @!p0 $0x0  }
0x8a: {  	[sflag:s5] =	ssyncadd.s32 @!p0 $0xFFFF8000  }
0x8b: {  	v6 =	vld [tilespmem:s1+$0xFFFFFFF0];
	_ =	sdelay $0x4  }
0x8c: {  	v7 =	vshll.u32 v6, $0x3  }
0x8d: {  	v6 =	vand.u32 $0x7, v6;
	v7 =	vand.u32 $0xFFFFFFC0, v7  }
0x8e: {  	v6 =	vor.u32 v6, v7  }
0x8f: {  	v7 =	vperm.xlane v6, v0;
	_ =	sdelay $0x1  }
0x90: {  	v7 =	vadd.s32 v1, v7;
	_ =	sdelay $0x4  }
0x91: {  	[tilespmem:s25], [sflag:$0x3] =	stream.indirect_vreg.gather [hbm4b:s2+s3], $0x80, v7, vm0, $0xb8;
	[tilespmem:$0x19180] =	vst v63  }
0x92: {  	s5 =	rddreg [dreg:$0x4];
	v6 =	vperm.xlane v6, v2  }
0x93: {  	[tilespmem:s5], [sflag:$0x3] =	stream.indirect_vreg.gather [hbm4b:s7+s3], $0x80, v7, vm0, $0xb8;
	[tilespmem:$0x19180] =	vst v63  }
0x94: {  	s6 =	rddreg [dreg:$0x5];
	v6 =	vadd.s32 v1, v6  }
0x95: {  	[tilespmem:s6], [sflag:$0x3] =	stream.indirect_vreg.gather [hbm4b:s8+s3], $0x80, v7, vm0, $0xb8;
	[tilespmem:$0x19180] =	vst v63  }
0x96: {  	s5 =	rddreg [dreg:$0x6]  }
0x97: {  	[tilespmem:s5], [sflag:$0x3] =	stream.indirect_vreg.gather [hbm4b:s9+s3], $0x80, v7, vm0, $0xb8;
	[tilespmem:$0x19180] =	vst v63  }
0x98: {  	s6 =	rddreg [dreg:$0x7]  }
0x99: {  	[tilespmem:s6], [sflag:$0x3] =	stream.indirect_vreg.gather [hbm4b:s2+s3], $0x80, v6, vm0, $0xb8;
	[tilespmem:$0x19180] =	vst v63  }
0x9a: {  	s5 =	rddreg [dreg:$0x8]  }
0x9b: {  	[tilespmem:s5], [sflag:$0x3] =	stream.indirect_vreg.gather [hbm4b:s7+s3], $0x80, v6, vm0, $0xb8;
	[tilespmem:$0x19180] =	vst v63  }
0x9c: {  	s6 =	rddreg [dreg:$0x9]  }
0x9d: {  	[tilespmem:s6], [sflag:$0x3] =	stream.indirect_vreg.gather [hbm4b:s8+s3], $0x80, v6, vm0, $0xb8;
	[tilespmem:$0x19180] =	vst v63  }
0x9e: {  	s5 =	rddreg [dreg:$0xa]  }
0x9f: {  	[tilespmem:s5], [sflag:$0x3] =	stream.indirect_vreg.gather [hbm4b:s9+s3], $0x80, v6, vm0, $0xb8;
	[tilespmem:$0x19180] =	vst v63  }
0xa0: {  	v6 =	vld [tilespmem:s1+$0x0];
	_ =	sdelay $0x4  }
0xa1: {  	v7 =	vshll.u32 v6, $0x3  }
0xa2: {  	v6 =	vand.u32 $0x7, v6;
	v7 =	vand.u32 $0xFFFFFFC0, v7  }
0xa3: {  	v6 =	vor.u32 v6, v7  }
0xa4: {  	v7 =	vperm.xlane v6, v0;
	_ =	sdelay $0x1  }
0xa5: {  	v7 =	vadd.s32 v1, v7;
	_ =	sdelay $0x3  }
0xa6: {  	s5 =	rddreg [dreg:$0xb]  }
0xa7: {  	[tilespmem:s5], [sflag:$0x3] =	stream.indirect_vreg.gather [hbm4b:s2+s3], $0x80, v7, vm0, $0xb8;
	[tilespmem:$0x19180] =	vst v63  }
0xa8: {  	s6 =	rddreg [dreg:$0xc];
	v6 =	vperm.xlane v6, v2  }
0xa9: {  	[tilespmem:s6], [sflag:$0x3] =	stream.indirect_vreg.gather [hbm4b:s7+s3], $0x80, v7, vm0, $0xb8;
	[tilespmem:$0x19180] =	vst v63  }
0xaa: {  	v6 =	vadd.s32 v1, v6;
	s5 =	rddreg [dreg:$0xd]  }
0xab: {  	[tilespmem:s5], [sflag:$0x3] =	stream.indirect_vreg.gather [hbm4b:s8+s3], $0x80, v7, vm0, $0xb8;
	[tilespmem:$0x19180] =	vst v63  }
0xac: {  	s6 =	rddreg [dreg:$0xe]  }
0xad: {  	[tilespmem:s6], [sflag:$0x3] =	stream.indirect_vreg.gather [hbm4b:s9+s3], $0x80, v7, vm0, $0xb8;
	[tilespmem:$0x19180] =	vst v63  }
0xae: {  	s5 =	rddreg [dreg:$0xf]  }
0xaf: {  	[tilespmem:s5], [sflag:$0x3] =	stream.indirect_vreg.gather [hbm4b:s2+s3], $0x80, v6, vm0, $0xb8;
	[tilespmem:$0x19180] =	vst v63  }
0xb0: {  	s6 =	rddreg [dreg:$0x10]  }
0xb1: {  	[tilespmem:s6], [sflag:$0x3] =	stream.indirect_vreg.gather [hbm4b:s7+s3], $0x80, v6, vm0, $0xb8;
	[tilespmem:$0x19180] =	vst v63  }
0xb2: {  	s5 =	rddreg [dreg:$0x11]  }
0xb3: {  	[tilespmem:s5], [sflag:$0x3] =	stream.indirect_vreg.gather [hbm4b:s8+s3], $0x80, v6, vm0, $0xb8;
	[tilespmem:$0x19180] =	vst v63  }
0xb4: {  	s6 =	rddreg [dreg:$0x12]  }
0xb5: {  	[tilespmem:s6], [sflag:$0x3] =	stream.indirect_vreg.gather [hbm4b:s9+s3], $0x80, v6, vm0, $0xb8;
	[tilespmem:$0x19180] =	vst v63  }
0xb6: {  	_ =	swait.ge [sflag:s26], $0x8000  }
0xb7: {  	s6 =	rddreg [dreg:$0x3];
	[sflag:s26] =	ssyncset.done $0x0  }
0xb8: {  	[sflag:s26] =	ssyncadd.s32 $0xFFFF8000;
	s5 =	sadd.s32 s4, s6  }
0xb9: {  	[hbm4b:s5+s3] =	stream.linear.scatter [tilespmem:s17], [sflag:$0x4], $0x8000, $0x38;
	[tilespmem:$0x19180] =	vst v63  }
0xba: {  	v6 =	vld [tilespmem:s0+$0xFFFFFFD0]  }
0xbb: {  	v7 =	vld [tilespmem:s0+$0xFFFFFFE0];
	_ =	sdelay $0x1  }
0xbc: {  	v8 =	vld [tilespmem:s1+$0xFFFFFFB0]  }
0xbd: {  	v10 =	vld [tilespmem:s1+$0xFFFFFFC0]  }
0xbe: {  	v9 =	vshll.u32 v6, $0x3  }
0xbf: {  	v6 =	vand.u32 $0x7F, v6;
	v47 =	vshll.u32 v7, $0x3;
	v9 =	vand.u32 $0xFFFFFC00, v9  }
0xc0: {  	v7 =	vand.u32 $0x7F, v7;
	v6 =	vor.u32 v6, v9;
	v9 =	vand.u32 $0xFFFFFC00, v47  }
0xc1: {  	v6 =	vadd.s32 v3, v6;
	v7 =	vor.u32 v7, v9  }
0xc2: {  	v7 =	vadd.s32 v4, v7;
	_ =	sdelay $0x1  }
0xc3: {  	v8 =	vld.idx.msk [tilespmem:v8+s16+$0x0], $0xffff  }
0xc4: {  	v48 =	vld.idx.msk [tilespmem:v10+s16+$0x0], $0xffff  }
0xc5: {  	v6 =	vld.idx.msk [tilespmem:v6+s17+$0x0], $0xffff  }
0xc6: {  	v7 =	vld.idx.msk [tilespmem:v7+s17+$0x0], $0xffff;
	_ =	swait.ge [sflag:s28], $0x8000  }
0xc7: {  	[sflag:s28] =	ssyncset.done $0x0  }
0xc8: {  	[sflag:s28] =	ssyncadd.s32 $0xFFFF8000  }
0xc9: {  	v49 =	vld [tilespmem:s1+$0x10];
	_ =	sdelay $0x4  }
0xca: {  	v11 =	vshll.u32 v49, $0x3  }
0xcb: {  	v10 =	vand.u32 $0x7, v49;
	v11 =	vand.u32 $0xFFFFFFC0, v11  }
0xcc: {  	v10 =	vor.u32 v10, v11  }
0xcd: {  	v11 =	vperm.xlane v10, v0;
	_ =	sdelay $0x1  }
0xce: {  	v11 =	vadd.s32 v1, v11;
	_ =	sdelay $0x4  }
0xcf: {  	[tilespmem:s17], [sflag:$0x1] =	stream.indirect_vreg.gather [hbm4b:s2+s3], $0x80, v11, vm0, $0xb8;
	[tilespmem:$0x19180] =	vst v63  }
0xd0: {  	s6 =	simm.s32 $0x1900;
	v10 =	vperm.xlane v10, v2  }
0xd1: {  	[tilespmem:s6], [sflag:$0x1] =	stream.indirect_vreg.gather [hbm4b:s7+s3], $0x80, v11, vm0, $0xb8;
	[tilespmem:$0x19180] =	vst v63  }
0xd2: {  	v10 =	vadd.s32 v1, v10  }
0xd3: {  	[tilespmem:s11], [sflag:$0x1] =	stream.indirect_vreg.gather [hbm4b:s8+s3], $0x80, v11, vm0, $0xb8;
	[tilespmem:$0x19180] =	vst v63  }
0xd4: {  	s6 =	simm.s32 $0x2900  }
0xd5: {  	[tilespmem:s6], [sflag:$0x1] =	stream.indirect_vreg.gather [hbm4b:s9+s3], $0x80, v11, vm0, $0xb8;
	[tilespmem:$0x19180] =	vst v63  }
0xd6: {  	_ = 	snop  }
0xd7: {  	[tilespmem:s13], [sflag:$0x1] =	stream.indirect_vreg.gather [hbm4b:s2+s3], $0x80, v10, vm0, $0xb8;
	[tilespmem:$0x19180] =	vst v63  }
0xd8: {  	_ = 	snop  }
0xd9: {  	[tilespmem:s14], [sflag:$0x1] =	stream.indirect_vreg.gather [hbm4b:s7+s3], $0x80, v10, vm0, $0xb8;
	[tilespmem:$0x19180] =	vst v63  }
0xda: {  	_ = 	snop  }
0xdb: {  	[tilespmem:s18], [sflag:$0x1] =	stream.indirect_vreg.gather [hbm4b:s8+s3], $0x80, v10, vm0, $0xb8;
	[tilespmem:$0x19180] =	vst v63  }
0xdc: {  	s6 =	simm.s32 $0x4900  }
0xdd: {  	[tilespmem:s6], [sflag:$0x1] =	stream.indirect_vreg.gather [hbm4b:s9+s3], $0x80, v10, vm0, $0xb8;
	[tilespmem:$0x19180] =	vst v63  }
0xde: {  	v10 =	vld [tilespmem:s1+$0x20];
	_ =	sdelay $0x4  }
0xdf: {  	v50 =	vshll.u32 v10, $0x3  }
0xe0: {  	v10 =	vand.u32 $0x7, v10;
	v11 =	vand.u32 $0xFFFFFFC0, v50  }
0xe1: {  	v10 =	vor.u32 v10, v11  }
0xe2: {  	v11 =	vperm.xlane v10, v0;
	_ =	sdelay $0x1  }
0xe3: {  	v11 =	vadd.s32 v1, v11;
	_ =	sdelay $0x4  }
0xe4: {  	[tilespmem:s20], [sflag:$0x1] =	stream.indirect_vreg.gather [hbm4b:s2+s3], $0x80, v11, vm0, $0xb8;
	[tilespmem:$0x19180] =	vst v63  }
0xe5: {  	v10 =	vperm.xlane v10, v2  }
0xe6: {  	[tilespmem:s21], [sflag:$0x1] =	stream.indirect_vreg.gather [hbm4b:s7+s3], $0x80, v11, vm0, $0xb8;
	[tilespmem:$0x19180] =	vst v63  }
0xe7: {  	v10 =	vadd.s32 v1, v10  }
0xe8: {  	[tilespmem:s22], [sflag:$0x1] =	stream.indirect_vreg.gather [hbm4b:s8+s3], $0x80, v11, vm0, $0xb8;
	[tilespmem:$0x19180] =	vst v63  }
0xe9: {  	s6 =	simm.s32 $0x6900  }
0xea: {  	[tilespmem:s6], [sflag:$0x1] =	stream.indirect_vreg.gather [hbm4b:s9+s3], $0x80, v11, vm0, $0xb8;
	[tilespmem:$0x19180] =	vst v63  }
0xeb: {  	_ = 	snop  }
0xec: {  	[tilespmem:s24], [sflag:$0x1] =	stream.indirect_vreg.gather [hbm4b:s2+s3], $0x80, v10, vm0, $0xb8;
	[tilespmem:$0x19180] =	vst v63  }
0xed: {  	s6 =	simm.s32 $0x7900  }
0xee: {  	[tilespmem:s6], [sflag:$0x1] =	stream.indirect_vreg.gather [hbm4b:s7+s3], $0x80, v10, vm0, $0xb8;
	[tilespmem:$0x19180] =	vst v63  }
0xef: {  	_ = 	snop  }
0xf0: {  	[tilespmem:s19], [sflag:$0x1] =	stream.indirect_vreg.gather [hbm4b:s8+s3], $0x80, v10, vm0, $0xb8;
	[tilespmem:$0x19180] =	vst v63  }
0xf1: {  	s6 =	simm.s32 $0x8900  }
0xf2: {  	[tilespmem:s6], [sflag:$0x1] =	stream.indirect_vreg.gather [hbm4b:s9+s3], $0x80, v10, vm0, $0xb8;
	[tilespmem:$0x19180] =	vst v63  }
0xf3: {  	_ =	swait.ge [sflag:s29], $0x8000  }
0xf4: {  	[sflag:s29] =	ssyncset.done $0x0  }
0xf5: {  	s6 =	sadd.s32 $0x1000, s5;
	[sflag:s29] =	ssyncadd.s32 $0xFFFF8000  }
0xf6: {  	[hbm4b:s6+s3] =	stream.linear.scatter [tilespmem:s15], [sflag:$0x5], $0x8000, $0x38;
	[tilespmem:$0x19180] =	vst v63  }
0xf7: {  	v51 =	vld [tilespmem:s0+$0xFFFFFFF0]  }
0xf8: {  	v52 =	vld [tilespmem:s0+$0x0];
	_ =	sdelay $0x1  }
0xf9: {  	v12 =	vld [tilespmem:s1+$0xFFFFFFD0]  }
0xfa: {  	v14 =	vld [tilespmem:s1+$0xFFFFFFE0]  }
0xfb: {  	v13 =	vshll.u32 v51, $0x3  }
0xfc: {  	v10 =	vand.u32 $0x7F, v51;
	v53 =	vshll.u32 v52, $0x3;
	v13 =	vand.u32 $0xFFFFFC00, v13  }
0xfd: {  	v11 =	vand.u32 $0x7F, v52;
	v10 =	vor.u32 v10, v13;
	v13 =	vand.u32 $0xFFFFFC00, v53  }
0xfe: {  	v10 =	vadd.s32 v3, v10;
	v11 =	vor.u32 v11, v13  }
0xff: {  	v11 =	vadd.s32 v4, v11;
	_ =	sdelay $0x1  }
0x100: {  	v12 =	vld.idx.msk [tilespmem:v12+s16+$0x0], $0xffff  }
0x101: {  	v54 =	vld.idx.msk [tilespmem:v14+s16+$0x0], $0xffff  }
0x102: {  	v10 =	vld.idx.msk [tilespmem:v10+s15+$0x0], $0xffff  }
0x103: {  	v11 =	vld.idx.msk [tilespmem:v11+s15+$0x0], $0xffff;
	_ =	swait.ge [sflag:s30], $0x8000  }
0x104: {  	[sflag:s30] =	ssyncset.done $0x0  }
0x105: {  	[sflag:s30] =	ssyncadd.s32 $0xFFFF8000  }
0x106: {  	v55 =	vld [tilespmem:s1+$0x30];
	_ =	sdelay $0x4  }
0x107: {  	v15 =	vshll.u32 v55, $0x3  }
0x108: {  	v14 =	vand.u32 $0x7, v55;
	v15 =	vand.u32 $0xFFFFFFC0, v15  }
0x109: {  	v14 =	vor.u32 v14, v15  }
0x10a: {  	v15 =	vperm.xlane v14, v0;
	_ =	sdelay $0x1  }
0x10b: {  	v15 =	vadd.s32 v1, v15;
	_ =	sdelay $0x4  }
0x10c: {  	[tilespmem:s15], [sflag:$0x2] =	stream.indirect_vreg.gather [hbm4b:s2+s3], $0x80, v15, vm0, $0xb8;
	[tilespmem:$0x19180] =	vst v63  }
0x10d: {  	s6 =	simm.s32 $0x9900;
	v14 =	vperm.xlane v14, v2  }
0x10e: {  	[tilespmem:s6], [sflag:$0x2] =	stream.indirect_vreg.gather [hbm4b:s7+s3], $0x80, v15, vm0, $0xb8;
	[tilespmem:$0x19180] =	vst v63  }
0x10f: {  	v14 =	vadd.s32 v1, v14;
	s6 =	simm.s32 $0xA100  }
0x110: {  	[tilespmem:s6], [sflag:$0x2] =	stream.indirect_vreg.gather [hbm4b:s8+s3], $0x80, v15, vm0, $0xb8;
	[tilespmem:$0x19180] =	vst v63  }
0x111: {  	s6 =	simm.s32 $0xA900  }
0x112: {  	[tilespmem:s6], [sflag:$0x2] =	stream.indirect_vreg.gather [hbm4b:s9+s3], $0x80, v15, vm0, $0xb8;
	[tilespmem:$0x19180] =	vst v63  }
0x113: {  	s6 =	simm.s32 $0xB100  }
0x114: {  	[tilespmem:s6], [sflag:$0x2] =	stream.indirect_vreg.gather [hbm4b:s2+s3], $0x80, v14, vm0, $0xb8;
	[tilespmem:$0x19180] =	vst v63  }
0x115: {  	s6 =	simm.s32 $0xB900  }
0x116: {  	[tilespmem:s6], [sflag:$0x2] =	stream.indirect_vreg.gather [hbm4b:s7+s3], $0x80, v14, vm0, $0xb8;
	[tilespmem:$0x19180] =	vst v63  }
0x117: {  	s6 =	simm.s32 $0xC100  }
0x118: {  	[tilespmem:s6], [sflag:$0x2] =	stream.indirect_vreg.gather [hbm4b:s8+s3], $0x80, v14, vm0, $0xb8;
	[tilespmem:$0x19180] =	vst v63  }
0x119: {  	s6 =	simm.s32 $0xC900  }
0x11a: {  	[tilespmem:s6], [sflag:$0x2] =	stream.indirect_vreg.gather [hbm4b:s9+s3], $0x80, v14, vm0, $0xb8;
	[tilespmem:$0x19180] =	vst v63  }
0x11b: {  	v14 =	vld [tilespmem:s1+$0x40];
	_ =	sdelay $0x4  }
0x11c: {  	v56 =	vshll.u32 v14, $0x3  }
0x11d: {  	v14 =	vand.u32 $0x7, v14;
	v15 =	vand.u32 $0xFFFFFFC0, v56  }
0x11e: {  	v14 =	vor.u32 v14, v15  }
0x11f: {  	v15 =	vperm.xlane v14, v0;
	_ =	sdelay $0x1  }
0x120: {  	v15 =	vadd.s32 v1, v15;
	_ =	sdelay $0x3  }
0x121: {  	s6 =	simm.s32 $0xD100  }
0x122: {  	[tilespmem:s6], [sflag:$0x2] =	stream.indirect_vreg.gather [hbm4b:s2+s3], $0x80, v15, vm0, $0xb8;
	[tilespmem:$0x19180] =	vst v63  }
0x123: {  	v14 =	vperm.xlane v14, v2;
	s6 =	simm.s32 $0xD900  }
0x124: {  	[tilespmem:s6], [sflag:$0x2] =	stream.indirect_vreg.gather [hbm4b:s7+s3], $0x80, v15, vm0, $0xb8;
	[tilespmem:$0x19180] =	vst v63  }
0x125: {  	v14 =	vadd.s32 v1, v14;
	s6 =	simm.s32 $0xE100  }
0x126: {  	[tilespmem:s6], [sflag:$0x2] =	stream.indirect_vreg.gather [hbm4b:s8+s3], $0x80, v15, vm0, $0xb8;
	[tilespmem:$0x19180] =	vst v63  }
0x127: {  	s6 =	simm.s32 $0xE900  }
0x128: {  	[tilespmem:s6], [sflag:$0x2] =	stream.indirect_vreg.gather [hbm4b:s9+s3], $0x80, v15, vm0, $0xb8;
	[tilespmem:$0x19180] =	vst v63  }
0x129: {  	s6 =	simm.s32 $0xF100  }
0x12a: {  	[tilespmem:s6], [sflag:$0x2] =	stream.indirect_vreg.gather [hbm4b:s2+s3], $0x80, v14, vm0, $0xb8;
	[tilespmem:$0x19180] =	vst v63  }
0x12b: {  	_ = 	snop  }
0x12c: {  	[tilespmem:s23], [sflag:$0x2] =	stream.indirect_vreg.gather [hbm4b:s7+s3], $0x80, v14, vm0, $0xb8;
	[tilespmem:$0x19180] =	vst v63  }
0x12d: {  	_ = 	snop  }
0x12e: {  	[tilespmem:s10], [sflag:$0x2] =	stream.indirect_vreg.gather [hbm4b:s8+s3], $0x80, v14, vm0, $0xb8;
	[tilespmem:$0x19180] =	vst v63  }
0x12f: {  	_ = 	snop  }
0x130: {  	[tilespmem:s12], [sflag:$0x2] =	stream.indirect_vreg.gather [hbm4b:s9+s3], $0x80, v14, vm0, $0xb8;
	[tilespmem:$0x19180] =	vst v63  }
0x131: {  	_ =	swait.ge [sflag:s31], $0x8000  }
0x132: {  	[sflag:s31] =	ssyncset.done $0x0  }
0x133: {  	s5 =	sadd.s32 $0x2000, s5;
	[sflag:s31] =	ssyncadd.s32 $0xFFFF8000  }
0x134: {  	[hbm4b:s5+s3] =	stream.linear.scatter [tilespmem:s25], [sflag:$0x6], $0x8000, $0x38;
	[tilespmem:$0x19180] =	vst v63  }
0x135: {  	v5 =	vadd.f32 v8, v5;
	v57 =	vld [tilespmem:s0+$0x10];
	_ =	sdelay $0x1  }
0x136: {  	v5 =	vsub.f32 v5, v6  }
0x137: {  	v6 =	vld [tilespmem:s1+$0xFFFFFFF0]  }
0x138: {  	v5 =	vadd.f32 v48, v5;
	v58 =	vld [tilespmem:s0+$0x20]  }
0x139: {  	v59 =	vshll.u32 v57, $0x3  }
0x13a: {  	v5 =	vsub.f32 v5, v7;
	v7 =	vand.u32 $0x7F, v57;
	v60 =	vand.u32 $0xFFFFFC00, v59  }
0x13b: {  	v61 =	vld [tilespmem:s1+$0x0];
	v7 =	vor.u32 v7, v60  }
0x13c: {  	v5 =	vadd.f32 v12, v5;
	v7 =	vadd.s32 v3, v7  }
0x13d: {  	v62 =	vshll.u32 v58, $0x3  }
0x13e: {  	v5 =	vsub.f32 v5, v10;
	v9 =	vand.u32 $0x7F, v58;
	v63 =	vand.u32 $0xFFFFFC00, v62  }
0x13f: {  	v9 =	vor.u32 v9, v63;
	v6 =	vld.idx.msk [tilespmem:v6+s16+$0x0], $0xffff  }
0x140: {  	v5 =	vadd.f32 v54, v5;
	v9 =	vadd.s32 v4, v9  }
0x141: {  	v7 =	vld.idx.msk [tilespmem:v7+s25+$0x0], $0xffff  }
0x142: {  	v5 =	vsub.f32 v5, v11  }
0x143: {  	v8 =	vld.idx.msk [tilespmem:v61+s16+$0x0], $0xffff  }
0x144: {  	s4 =	sadd.s32 $0x3000, s4;
	v5 =	vadd.f32 v6, v5  }
0x145: {  	p0 =	sne.s32 s4, $0x30000;
	v6 =	vld.idx.msk [tilespmem:v9+s25+$0x0], $0xffff  }
.Ltmp0:
0x146: {  	v5 =	vsub.f32 v5, v7;
	(pc) =	sbr.rel @p0 .LBB2_2-.Ltmp0, $3  }
0x147: {  	_ = 	snop  }
0x148: {  	v5 =	vadd.f32 v8, v5;
	_ =	sdelay $0x1  }
0x149: {  	s1 =	sadd.s32 $0x60, s1;
	s0 =	sadd.s32 $0x60, s0;
	v5 =	vsub.f32 v5, v6  }
0x14a: {  	s0 =	simm.s32 $0x6  }
0x14b: {  	_ =	swait.ge [sflag:s0], $0x8000  }
0x14c: {  	[sflag:s0] =	ssyncset.done $0x0  }
0x14d: {  	[sflag:s0] =	ssyncadd.s32 $0xFFFF8000  }
0x14e: {  	_ =	swait.ge [sflag:s26], $0x8000  }
0x14f: {  	[sflag:s26] =	ssyncset.done $0x0  }
0x150: {  	s21 =	rddreg [dreg:$0x16];
	[sflag:s26] =	ssyncadd.s32 $0xFFFF8000  }
0x151: {  	[hbm4b:s21+s3] =	stream.linear.scatter [tilespmem:s17], [sflag:$0x4], $0x8000, $0x38;
	[tilespmem:$0x19180] =	vst v63  }
0x152: {  	v6 =	vld [tilespmem:$0xC80]  }
0x153: {  	v7 =	vld [tilespmem:$0xC90];
	_ =	sdelay $0x1  }
0x154: {  	v8 =	vld [tilespmem:$0x600]  }
0x155: {  	v10 =	vld [tilespmem:$0x610]  }
0x156: {  	v9 =	vshll.u32 v6, $0x3  }
0x157: {  	v6 =	vand.u32 $0x7F, v6;
	v57 =	vshll.u32 v7, $0x3;
	v9 =	vand.u32 $0xFFFFFC00, v9  }
0x158: {  	v7 =	vand.u32 $0x7F, v7;
	v6 =	vor.u32 v6, v9;
	v9 =	vand.u32 $0xFFFFFC00, v57  }
0x159: {  	v6 =	vadd.s32 v3, v6;
	v7 =	vor.u32 v7, v9  }
0x15a: {  	v7 =	vadd.s32 v4, v7;
	_ =	sdelay $0x1  }
0x15b: {  	v8 =	vld.idx.msk [tilespmem:v8+s16+$0x0], $0xffff  }
0x15c: {  	v58 =	vld.idx.msk [tilespmem:v10+s16+$0x0], $0xffff  }
0x15d: {  	v6 =	vld.idx.msk [tilespmem:v6+s17+$0x0], $0xffff  }
0x15e: {  	v7 =	vld.idx.msk [tilespmem:v7+s17+$0x0], $0xffff;
	_ =	swait.ge [sflag:s28], $0x8000  }
0x15f: {  	[sflag:s28] =	ssyncset.done $0x0  }
0x160: {  	[sflag:s28] =	ssyncadd.s32 $0xFFFF8000  }
0x161: {  	_ =	swait.ge [sflag:s29], $0x8000  }
0x162: {  	[sflag:s29] =	ssyncset.done $0x0  }
0x163: {  	s22 =	rddreg [dreg:$0x17];
	[sflag:s29] =	ssyncadd.s32 $0xFFFF8000  }
0x164: {  	[hbm4b:s22+s3] =	stream.linear.scatter [tilespmem:s15], [sflag:$0x5], $0x8000, $0x38;
	[tilespmem:$0x19180] =	vst v63  }
0x165: {  	v59 =	vld [tilespmem:$0xCA0];
	_ =	sdelay $0x2  }
0x166: {  	v11 =	vld [tilespmem:$0x620]  }
0x167: {  	v12 =	vld [tilespmem:$0xCB0]  }
0x168: {  	v13 =	vshll.u32 v59, $0x3  }
0x169: {  	v10 =	vand.u32 $0x7F, v59;
	v13 =	vand.u32 $0xFFFFFC00, v13  }
0x16a: {  	v60 =	vld [tilespmem:$0x630];
	v10 =	vor.u32 v10, v13  }
0x16b: {  	v5 =	vadd.f32 v8, v5;
	v61 =	vadd.s32 v3, v10  }
0x16c: {  	v62 =	vshll.u32 v12, $0x3  }
0x16d: {  	v5 =	vsub.f32 v5, v6;
	v6 =	vand.u32 $0x7F, v12;
	v10 =	vand.u32 $0xFFFFFC00, v62  }
0x16e: {  	v63 =	vld.idx.msk [tilespmem:v11+s16+$0x0], $0xffff;
	v6 =	vor.u32 v6, v10  }
0x16f: {  	v5 =	vadd.f32 v58, v5;
	v6 =	vadd.s32 v4, v6  }
0x170: {  	v8 =	vld.idx.msk [tilespmem:v61+s15+$0x0], $0xffff  }
0x171: {  	v5 =	vsub.f32 v5, v7  }
0x172: {  	v7 =	vld.idx.msk [tilespmem:v60+s16+$0x0], $0xffff  }
0x173: {  	v5 =	vadd.f32 v63, v5  }
0x174: {  	v6 =	vld.idx.msk [tilespmem:v6+s15+$0x0], $0xffff  }
0x175: {  	v5 =	vsub.f32 v5, v8;
	_ =	sdelay $0x1  }
0x176: {  	v5 =	vadd.f32 v7, v5  }
0x177: {  	_ =	swait.ge [sflag:s30], $0x8000  }
0x178: {  	[sflag:s30] =	ssyncset.done $0x0;
	v5 =	vsub.f32 v5, v6  }
0x179: {  	[sflag:s30] =	ssyncadd.s32 $0xFFFF8000  }
0x17a: {  	s1 =	simm.s32 $0x19100;
	s23 =	rddreg [dreg:$0x18];
	[tilespmem:$0x19100] =	vst v5  }
0x17b: {  	[hbm4b:s23+s3] =	stream.linear.scatter [tilespmem:s1], [sflag:$0x7], $0x10, $0x38;
	[tilespmem:$0x19180] =	vst v63  }
0x17c: {  	s1 =	simm.s32 $0x7  }
0x17d: {  	_ =	swait.ge [sflag:s1], $0x10  }
0x17e: {  	s4 =	rddreg [dreg:$0x1a]  }
0x17f: {  	s24 =	rddreg [dreg:$0x19];
	s4 =	sadd.s32 $0x1, s4  }
0x180: {  	s5 =	simm.s32 $0x1900;
	s6 =	simm.s32 $0x2100;
	p0 =	sne.s32 s4, s24  }
.Ltmp1:
0x181: {  	s10 =	simm.s32 $0x2900;
	s11 =	simm.s32 $0x3100;
	(pc) =	sbr.rel @p0 .LBB2_1-.Ltmp1, $4  }
0x182: {  	s12 =	simm.s32 $0x3900;
	s13 =	simm.s32 $0x4100;
	s14 =	simm.s32 $0x4900  }
0x183: {  	s18 =	simm.s32 $0x5100;
	s19 =	simm.s32 $0x5900;
	s20 =	simm.s32 $0x6100  }
0x184: {  	s21 =	simm.s32 $0x6900;
	s22 =	simm.s32 $0x7100;
	[sflag:s1] =	ssyncset.done $0x0  }
0x185: {  	s23 =	simm.s32 $0x7900;
	[sflag:s1] =	ssyncadd.s32 $0xFFFFFFF0;
	s24 =	simm.s32 $0x8100  }
0x186: {  	_ =	sfence.sel $0x180000  }
0x187: {  	[bflag:$0x0] =	sbarrier.arrive $0xFFFF  }
0x188: {  	_ =	strace $0x90000047  }
0x189: {  	s0 =	stileid.u32;
	[bflag:$0x2] =	sbarrier.arrive $0xFFFF  }
0x18a: {  	p0 =	sne.s32 s0, $0x0;
	s0 =	rddreg [dreg:$0x2]  }
0x18b: {  	s0 =	sadd.s32 @!p0 $0x100000, s0  }
0x18c: {  	[sflag:s0] =	ssyncadd.tile.s32 @!p0 $0x1;
	_ =	shalt  }
.Lfunc_end2:
_tile_overlayer_lowered:
.L_overlay_start_2:
0x18d: {  	(tag) =	ssettag $0x2  }
0x18e: {  	s0 =	rddreg [dreg:$0x0];
	s2 =	stileid.u32  }
0x18f: {  	s1 =	rddreg [dreg:$0x1];
	p0 =	sne.s32 s2, $0x0  }
0x190: {  	s3 =	rddreg [dreg:$0x2];
	[bflag:$0x3] =	sbarrier.arrive $0xFFFF;
	s2 =	simm.s32 @!p0 $0x1C07  }
0x191: {  	[timem:s3], [sflag:s2] =	dma.local @!p0 [hbm:s0], s1  }
0x192: {  	s0 =	simm.s32 @!p0 $0x7  }
0x193: {  	_ =	swait.ge @!p0 [sflag:s0], s1  }
0x194: {  	s1 =	ssub.s32 @!p0 $0x0, s1;
	[sflag:s0] =	ssyncset.done @!p0 $0x0  }
0x195: {  	[sflag:s0] =	ssyncadd.s32 @!p0 s1  }
0x196: {  	[bflag:$0x3] =	sbarrier.arrive $0xFFFF  }
0x197: {  	_ =	shalt  }

// kernel: sparse-core-data-format-call.cloned.1.call-start
scs
called_computation_lowered:
.L_overlay_start_0:
0x0: {  	s2 =	sld [smem:$0x3FD9]  }
0x1: {  	s3 =	sld [smem:$0x3FFE];
	_ =	sdelay $0x1  }
0x2: {  	s1 =	srdreg.scid  }
0x3: {  	s0 =	sand.u32 $0x1, s1  }
0x4: {  	s15 =	sshll.u32 s0, $0xA;
	s2 =	sadd.s32 s3, s2  }
0x5: {  	s2 =	sadd.s32 s2, s15  }
0x6: {  	[smem:$0x3FC5] =	sst s2  }
0x7: {  	_ = 	snop  }
0x8: {  	s2 =	sld [smem:$0x3FD0];
	_ =	sdelay $0x2  }
0x9: {  	s16 =	simm.s32 $0xA;
	s4 =	simm.s32 $0x10  }
0xa: {  	[smem:s4], [sflag:s16] =	dma.local [hbm:s2], $0x1  }
0xb: {  	_ =	swait.eq [sflag:s16], $0x1  }
0xc: {  	[sflag:s16] =	ssyncset.done $0x0  }
0xd: {  	[sflag:s16] =	ssyncadd.s32 $0xFFFFFFFF  }
0xe: {  	s17 =	sld [smem:$0x10];
	(tm) =	ssettm $0x1  }
0xf: {  	s18 =	sld [smem:$0x3FFB];
	_ =	sdelay $0x3  }
0x10: {  	_ =	strace s18  }
0x11: {  	s3 =	sld [smem:$0x3FFC];
	_ =	sdelay $0x3  }
0x12: {  	_ =	strace s3  }
0x13: {  	s3 =	sld [smem:$0x3FFD];
	_ =	sdelay $0x3  }
0x14: {  	_ =	strace s3  }
0x15: {  	_ =	strace $0x8FFFFFFF  }
0x16: {  	s19 =	sld [smem:$0x3FDB];
	_ =	sdelay $0x1  }
0x17: {  	s20 =	simm.s32 $_scs_section_size  }
0x18: {  	s5 =	simm.s32 $_size__tile_overlayer_lowered;
	s6 =	simm.s32 $_tile_overlayer_lowered  }
0x19: {  	s23 =	simm.s32 $0x1BFF;
	s22 =	sshll.u32 s6, $0x1;
	s3 =	sadd.s32 s20, s19  }
0x1a: {  	s7 =	simm.s32 $0x0;
	s21 =	sshll.u32 s5, $0x1;
	s5 =	sadd.s32 s22, s3  }
0x1b: {  	[timem:s7], [sflag:s23] =	dma.local [hbm:s5], s21  }
0x1c: {  	_ =	swait.ge [sflag:s23], s21  }
0x1d: {  	s4 =	ssub.s32 $0x0, s21;
	[sflag:s23] =	ssyncset.done $0x0  }
0x1e: {  	[sflag:s23] =	ssyncadd.s32 s4;
	_ =	sdelay $0x1  }
0x1f: {  	s24 =	simm.s32 $0x1B8B  }
0x20: {  	_ =	swait.ge [sflag:s24], $0x1  }
0x21: {  	[sflag:s24] =	ssyncset.done $0x0  }
0x22: {  	s26 =	simm.s32 $0x1B8E;
	s25 =	sld [smem:$0x3FFE];
	[sflag:s24] =	ssyncadd.s32 $0xFFFFFFFF  }
0x23: {  	s27 =	simm.s32 $execute0_lowered;
	[smem:$0x3FD2] =	sst s26  }
0x24: {  	s5 =	sshll.u32 s27, $0x1;
	_ =	strace $0x80000049;
	[dreg:$0x1] =	wrdreg $0xFFFFFFFF  }
0x25: {  	s28 =	simm.s32 $_size_execute0_lowered;
	s3 =	sadd.s32 s3, s5;
	[dreg:$0x0] =	wrdreg $0x0  }
0x26: {  	s5 =	sshll.u32 s28, $0x1;
	[dreg:$0x2] =	wrdreg s3  }
0x27: {  	[dreg:$0x3] =	wrdreg s5  }
0x28: {  	[dreg:$0x4] =	wrdreg $0xC0  }
0x29: {  	_ =	task [dreg:s7], $0x5FFFF  }
0x2a: {  	[dreg:$0x1] =	wrdreg $0xFFFFFFFF  }
0x2b: {  	[dreg:$0x0] =	wrdreg $0x60  }
0x2c: {  	[dreg:$0x2] =	wrdreg s25  }
0x2d: {  	[dreg:$0x3] =	wrdreg s17  }
0x2e: {  	[dreg:$0x4] =	wrdreg $0x9  }
0x2f: {  	_ =	task.clear_ibuf [dreg:s7], $0x5FFFF;
	_ =	strace $0x90000049  }
0x30: {  	s29 =	simm.s32 $0x9;
	_ =	strace $0x8000004B  }
0x31: {  	_ =	swait.ge [sflag:s29], $0x1  }
0x32: {  	[sflag:s29] =	ssyncadd.s32 $0xFFFFFFFF  }
0x33: {  	_ =	strace $0x9000004B  }
0x34: {  	_ =	sfence  }
0x35: {  	s30 =	sld [smem:$0x0];
	_ =	sdelay $0x2  }
0x36: {  	s31 =	sshll.u32 s1, $0xD;
	s1 =	sshrl.u32 s1, $0x2  }
0x37: {  	s3 =	sand.u32 $0x4000, s31;
	s1 =	sadd.s32 s1, s30  }
0x38: {  	s0 =	sor.u32 s3, s0;
	s1 =	sshll.u32 s1, $0x11  }
0x39: {  	s0 =	sor.u32 s1, s0  }
0x3a: {  	s0 =	sadd.s32 $0x8F2B, s0  }
0x3b: {  	[sflag:s0] =	ssyncadd.remote.s32 $0x1  }
0x3c: {  	_ =	sfence.sel $0xFFFF  }
0x3d: {  	[dreg:$0x0] =	wrdreg $0xFFFFFFFF;
	(pc) =	sbr.abs _section_cstart, $3  }
0x3e: {  	[dreg:$0x1] =	wrdreg $0xFFFFFFFF  }
0x3f: {  	_ =	task.clear_ibuf [dreg:s7], $0x2FFFF;
	_ =	strace $0x9FFFFFFF  }
0x40: {  	(tm) =	ssettm $0x7FFFFFFF  }
0x41: {  	_ =	shalt  }
tec
execute0_lowered:
.L_overlay_start_1:
0x0: {  	(tag) =	ssettag $0x1  }
0x1: {  	s4 =	rddreg [dreg:$0x0]  }
0x2: {  	s2 =	rddreg [dreg:$0x1];
	s1 =	stileid.u32  }
0x3: {  	s3 =	srdreg.scid;
	s0 =	rddreg [dreg:$0x2];
	_ =	strace $0x8000004A  }
0x4: {  	s10 =	simm.s32 $0x2;
	s14 =	simm.s32 $0x0;
	s16 =	simm.s32 $0x0  }
0x5: {  	s12 =	simm.s32 $0x0;
	s15 =	simm.s32 $0x0;
	s3 =	sshll.u32 s3, $0x4  }
0x6: {  	s5 =	sshll.u32 s1, $0x7;
	s4 =	sadd.s32 $0x4200, s4;
	s6 =	sand.u32 $0x10, s3  }
0x7: {  	s3 =	sand.u32 $0x180, s5;
	s5 =	simm.s32 $0x1;
	s8 =	sor.u32 s1, s6  }
0x8: {  	s31 =	ssub.s32 $0xC800, s3;
	[sflag:s5] =	ssyncpa.u1 $0x0;
	s13 =	smov.u32 s3  }
.Ltmp0:
0x9: {  	s7 =	sshll.u32 s8, $0x5;
	s9 =	sand.u32 $0x180, s31;
	(pc) =	sbr.rel .LBB1_1-.Ltmp0, $4  }
0xa: {  	s11 =	sshrl.u32 s31, $0x9;
	p0 =	sne.s32 s9, $0x0;
	s9 =	simm.s32 $0x1  }
0xb: {  	[sflag:s10] =	ssyncpa.u1 $0x0;
	s8 =	sshll.u32 s8, $0x8;
	s9 =	simm.s32 @!p0 $0x0  }
0xc: {  	s10 =	simm.s32 $0x64000;
	s6 =	sand.u32 $0x380, s7;
	s7 =	sadd.s32 s9, s11  }
0xd: {  	p0 =	por $0x0, $0x0;
	s11 =	simm.s32 $0x0;
	s9 =	sadd.s32 $0x1, s7  }
.LBB1_4:
0xe: {  	s22 =	sshrl.u32 s11, $0x3  }
0xf: {  	s23 =	sshll.u32 s12, $0x3;
	s24 =	sand.u32 $0x7F, s12;
	s22 =	smul.u32 $0x64000, s22  }
0x10: {  	v5 =	vld [tilespmem:s18+$0xFFFFFFD0];
	s21 =	sshra.s32 s21, $0x2;
	s25 =	sshra.s32 s12, $0x1F;
	s23 =	sand.u32 $0xFFFFFC00, s23  }
0x11: {  	[tilespmem:s20+$0x2040 ss:$0x81] =	vst.msk $0xffff, v4;
	v58 =	vld [tilespmem:s18+$0xFFFFFFE0];
	p1 =	sgt.s32 s12, $0xC780;
	s25 =	sand.u32 s25, s12;
	s22 =	sadd.s32 s23, s22  }
0x12: {  	[tilespmem:s20+$0x2850 ss:$0x81] =	vst.msk $0xffff, v3;
	v59 =	vld [tilespmem:s18+$0xFFFFFFF0];
	s23 =	sor.u32 s24, s22;
	s22 =	smulhi.u32 $0x51EB851F, s22;
	s24 =	smov.u32 s12  }
0x13: {  	[tilespmem:s20+$0x3060 ss:$0x81] =	vst.msk $0xffff, v2;
	v60 =	vld [tilespmem:s18+$0x0];
	s19 =	sadd.s32 s21, s19;
	s26 =	smulhi.u32 $0x51EB851F, s23;
	s24 =	simm.s32 @!p1 $0xC780  }
0x14: {  	[tilespmem:s20+$0x0 ss:$0x81] =	vst.msk $0xffff, v0;
	v61 =	vld [tilespmem:s18+$0x10];
	p1 =	sgt.s32 s11, $0x368;
	s28 =	sshrl.u32 s22, $0xE;
	s29 =	ssub.s32 s24, s25  }
0x15: {  	[tilespmem:s19+$0x3870 ss:$0x81] =	vst.msk $0xffff, v1;
	s30 =	sshrl.u32 s26, $0xE;
	s31 =	smulhi.u32 $0x418938, s28;
	s25 =	sadd.s32 $0xFFFF3880, s29  }
0x16: {  	v62 =	vld [tilespmem:s18+$0x20];
	[tilespmem:s19+$0x810 ss:$0x81] =	vst.msk $0xffff, v5;
	s22 =	smul.u32 $0xC800, s30;
	p2 =	sgt.s32 s25, $0x7F;
	s25 =	smov.u32 s11  }
0x17: {  	v63 =	vld [tilespmem:s18+$0xFFFFFFC0];
	[tilespmem:s19+$0x1020 ss:$0x81] =	vst.msk $0xffff, v58;
	s21 =	ssub.s32 $0xC800, s29;
	s25 =	simm.s32 @!p1 $0x368;
	s26 =	smul.u32 $0x3E8, s31  }
0x18: {  	[tilespmem:s19+$0x1830 ss:$0x81] =	vst.msk $0xffff, v59;
	s21 =	simm.s32 @p2 $0x0;
	s27 =	ssub.s32 $0x3E8, s25  }
0x19: {  	[tilespmem:s19+$0x2040 ss:$0x81] =	vst.msk $0xffff, v60;
	s22 =	ssub.s32 s23, s22;
	s18 =	ssub.s32 s28, s26;
	s28 =	smul.u32 s27, s21  }
0x1a: {  	[tilespmem:s19+$0x2850 ss:$0x81] =	vst.msk $0xffff, v61;
	s29 =	sshrl.u32 s22, $0x3;
	s22 =	sand.u32 $0x7, s22;
	s18 =	smul.u32 $0x1900, s18  }
0x1b: {  	[tilespmem:s19+$0x3060 ss:$0x81] =	vst.msk $0xffff, v62;
	s21 =	sadd.s32 s2, s29;
	s22 =	sshll.u32 s22, $0x12  }
0x1c: {  	[tilespmem:s19+$0x0 ss:$0x81] =	vst.msk $0xffff, v63;
	s30 =	sand.u32 $0x3FFFFFF8, s28;
	s31 =	sor.u32 $0x400, s22;
	s18 =	sadd.s32 s18, s21  }
0x1d: {  	[hbm4b:s18+s31] =	stream.strided.scatter [tilespmem:s17], [sflag:$0x2], s30, s10, s31, $0x20;
	[tilespmem:$0x10100] =	vst v63  }
.LBB1_5:
0x1e: {  	p1 =	slt.u32 s15, $0x2  }
0x1f: {  	p2 =	sgt.s32 @!p1 s16, $0xC780  }
0x20: {  	s17 =	smov.u32 s16;
	s18 =	sshra.s32 @!p1 s16, $0x1F;
	p2 =	por !p2, p1  }
0x21: {  	s16 =	sand.u32 @!p1 s18, s16;
	s17 =	simm.s32 @p2 $0xC780  }
0x22: {  	s16 =	ssub.s32 @!p1 s17, s16  }
0x23: {  	p2 =	sgt.s32 @!p1 s14, $0x368;
	s17 =	sadd.s32 @!p1 $0xFFFF3880, s16  }
0x24: {  	s18 =	sadd.s32 $0x200, s13;
	p2 =	por !p2, p1;
	p3 =	sgt.s32 @!p1 s17, $0x7F  }
0x25: {  	s14 =	simm.s32 @p2 $0x368;
	s16 =	ssub.s32 @!p1 $0xC800, s16;
	p2 =	por !p3, p1  }
0x26: {  	s14 =	ssub.s32 @!p1 $0x3E8, s14;
	s16 =	simm.s32 @!p2 $0x0;
	p2 =	sgt.s32 s18, $0xC7FF  }
0x27: {  	s14 =	smul.u32 @!p1 s14, s16;
	s18 =	smov.u32 @p2 s3;
	p2 =	sne.s32 s15, s9  }
.Ltmp1:
0x28: {  	s20 =	sadd.s32 $0x1, s15;
	p0 =	por !p0, !p0;
	(pc) =	sbr.rel @!p2 .LBB1_6-.Ltmp1, $4  }
0x29: {  	s17 =	simm.s32 @!p1 $0x2;
	s16 =	smov.u32 s12;
	s14 =	sand.u32 @!p1 $0x3FFFFFFF, s14  }
0x2a: {  	s12 =	smov.u32 s13;
	s15 =	smov.u32 s20;
	_ =	swait.ge @!p1 [sflag:s17], s14  }
0x2b: {  	s13 =	smov.u32 s18;
	s19 =	ssub.s32 @!p1 $0x0, s14;
	[sflag:s17] =	ssyncset.done @!p1 $0x0  }
0x2c: {  	s14 =	smov.u32 s11;
	s11 =	smov.u32 s6;
	[sflag:s17] =	ssyncadd.s32 @!p1 s19  }
.LBB1_1:
0x2d: {  	p1 =	sge.u32 s15, s7  }
0x2e: {  	s17 =	sshll.u32 @!p1 s13, $0xA  }
0x2f: {  	s17 =	sand.u32 @!p1 $0xFFFFE000, s17  }
0x30: {  	s17 =	sor.u32 @!p1 s8, s17  }
0x31: {  	s17 =	sshrl.u32 @!p1 s17, $0xA  }
0x32: {  	s18 =	smulhi.u32 @!p1 $0x28F5C3, s17;
	_ =	sdelay $0x1  }
0x33: {  	s18 =	sshrl.u32 @!p1 s18, $0x5  }
0x34: {  	s18 =	smul.u32 @!p1 $0xC800, s18  }
0x35: {  	s31 =	sadd.s32 $0xFFFFFFFF, s15;
	s19 =	sxor.u32 @!p1 $0xFFFFFFFF, s15;
	s20 =	sshll.u32 @!p1 s13, $0x4  }
0x36: {  	s19 =	sshll.u32 @!p1 s19, $0xE;
	s17 =	ssub.s32 @!p1 s17, s18;
	s18 =	sand.u32 @!p1 $0x70, s20  }
0x37: {  	s19 =	sand.u32 @!p1 $0x4000, s19;
	s17 =	sshll.u32 @!p1 s17, $0x7;
	s18 =	sadd.s32 @!p1 s4, s18  }
0x38: {  	s20 =	simm.s32 @!p1 $0x2000;
	s17 =	sadd.s32 @!p1 s17, s18;
	s18 =	simm.s32 @!p1 $0x400  }
0x39: {  	[tilespmem:s19], [sflag:$0x1] =	stream.strided.gather @!p1 [hbm4b:s17+s18], $0x4000, s20, s18, $0x38;
	[tilespmem:$0x10100] =	vst v63  }
0x3a: {  	p1 =	sge.u32 s31, s7  }
.Ltmp2:
0x3b: {  	_ = 	snop;
	(pc) =	sbr.rel @p1 .LBB1_5-.Ltmp2, $1  }
0x3c: {  	_ =	sdelay $0x3  }
0x3d: {  	s17 =	simm.s32 $0x1  }
0x3e: {  	_ =	swait.ge [sflag:s5], $0x4000;
	s17 =	simm.s32 @!p0 $0x0  }
0x3f: {  	[sflag:s5] =	ssyncset.done $0x0;
	s18 =	sshll.u32 s17, $0xE  }
0x40: {  	[sflag:s5] =	ssyncadd.s32 $0xFFFFC000;
	s18 =	sor.u32 $0x40, s18  }
0x41: {  	s17 =	smul.u32 $0x10200, s17;
	v0 =	vld [tilespmem:s18+$0x30]  }
0x42: {  	v1 =	vld [tilespmem:s18+$0xFFFFFFD0]  }
0x43: {  	s17 =	sshrl.u32 s17, $0x2;
	v5 =	vld [tilespmem:s18+$0xFFFFFFE0]  }
0x44: {  	v6 =	vld [tilespmem:s18+$0xFFFFFFF0];
	s19 =	sor.u32 $0x8000, s17  }
0x45: {  	s31 =	sand.u32 $0x1, s15;
	v4 =	vld [tilespmem:s18+$0x0];
	s20 =	sadd.s32 $0x0, s19  }
0x46: {  	v3 =	vld [tilespmem:s18+$0x10];
	s17 =	smul.u32 $0x10200, s31;
	[tilespmem:s20+$0x3870 ss:$0x81] =	vst.msk $0xffff, v0  }
0x47: {  	v2 =	vld [tilespmem:s18+$0x20];
	[tilespmem:s20+$0x810 ss:$0x81] =	vst.msk $0xffff, v1  }
0x48: {  	s17 =	sshrl.u32 s17, $0x2;
	v0 =	vld [tilespmem:s18+$0xFFFFFFC0];
	[tilespmem:s20+$0x1020 ss:$0x81] =	vst.msk $0xffff, v5;
	s18 =	sadd.s32 $0x80, s18  }
0x49: {  	s21 =	simm.s32 $0x4;
	s22 =	simm.s32 $0x8;
	s17 =	sor.u32 $0x8000, s17;
	[tilespmem:s20+$0x1830 ss:$0x81] =	vst.msk $0xffff, v6;
	v1 =	vld [tilespmem:s18+$0x30]  }
.LBB1_3:
0x4a: {  	p1 =	sne.s32 s22, $0x1FC;
	v5 =	vld [tilespmem:s18+$0xFFFFFFD0];
	[tilespmem:s20+$0x2040 ss:$0x81] =	vst.msk $0xffff, v4  }
0x4b: {  	v6 =	vld [tilespmem:s18+$0xFFFFFFE0];
	[tilespmem:s20+$0x2850 ss:$0x81] =	vst.msk $0xffff, v3  }
0x4c: {  	s23 =	sshra.s32 s21, $0x2;
	s21 =	smov.u32 s22;
	v7 =	vld [tilespmem:s18+$0xFFFFFFF0];
	[tilespmem:s20+$0x3060 ss:$0x81] =	vst.msk $0xffff, v2  }
.Ltmp3:
0x4d: {  	v4 =	vld [tilespmem:s18+$0x0];
	[tilespmem:s20+$0x0 ss:$0x81] =	vst.msk $0xffff, v0;
	s20 =	sadd.s32 s23, s19;
	(pc) =	sbr.rel @p1 .LBB1_3-.Ltmp3, $4  }
0x4e: {  	v3 =	vld [tilespmem:s18+$0x10];
	[tilespmem:s20+$0x3870 ss:$0x81] =	vst.msk $0xffff, v1  }
0x4f: {  	[tilespmem:s20+$0x810 ss:$0x81] =	vst.msk $0xffff, v5;
	v2 =	vld [tilespmem:s18+$0x20]  }
0x50: {  	v0 =	vld [tilespmem:s18+$0xFFFFFFC0];
	[tilespmem:s20+$0x1020 ss:$0x81] =	vst.msk $0xffff, v6;
	s18 =	sadd.s32 $0x80, s18  }
0x51: {  	s22 =	sadd.s32 $0x4, s22;
	v1 =	vld [tilespmem:s18+$0x30];
	[tilespmem:s20+$0x1830 ss:$0x81] =	vst.msk $0xffff, v7  }
.Ltmp4:
0x52: {  	_ = 	snop;
	(pc) =	sbr.rel .LBB1_4-.Ltmp4, $1  }
0x53: {  	_ =	sdelay $0x3  }
.LBB1_6:
0x54: {  	_ =	sfence.sel $0x180000  }
0x55: {  	s2 =	simm.s32 $0x1;
	[bflag:$0x0] =	sbarrier.arrive $0xFFFF  }
0x56: {  	s31 =	simm.s32 $0x2;
	[sflag:s2] =	ssyncpa.u1 $0x1  }
0x57: {  	[sflag:s31] =	ssyncpa.u1 $0x1  }
0x58: {  	p0 =	sne.s32 s1, $0x0;
	_ =	strace $0x9000004A  }
0x59: {  	s0 =	sadd.s32 @!p0 $0x100000, s0;
	[bflag:$0x2] =	sbarrier.arrive $0xFFFF  }
0x5a: {  	[sflag:s0] =	ssyncadd.tile.s32 @!p0 $0x1;
	_ =	shalt  }
.Lfunc_end1:
_tile_overlayer_lowered:
.L_overlay_start_2:
0x5b: {  	(tag) =	ssettag $0x2  }
0x5c: {  	s0 =	rddreg [dreg:$0x0];
	s2 =	stileid.u32  }
0x5d: {  	s1 =	rddreg [dreg:$0x1];
	p0 =	sne.s32 s2, $0x0  }
0x5e: {  	s3 =	rddreg [dreg:$0x2];
	[bflag:$0x3] =	sbarrier.arrive $0xFFFF;
	s2 =	simm.s32 @!p0 $0x1C01  }
0x5f: {  	[timem:s3], [sflag:s2] =	dma.local @!p0 [hbm:s0], s1  }
0x60: {  	s0 =	simm.s32 @!p0 $0x1  }
0x61: {  	_ =	swait.ge @!p0 [sflag:s0], s1  }
0x62: {  	s1 =	ssub.s32 @!p0 $0x0, s1;
	[sflag:s0] =	ssyncset.done @!p0 $0x0  }
0x63: {  	[sflag:s0] =	ssyncadd.s32 @!p0 s1  }
0x64: {  	[bflag:$0x3] =	sbarrier.arrive $0xFFFF  }
0x65: {  	_ =	shalt  }

</sc_bundles>
